<compile_context>
chip_gen: v7x
topology: tpu7x:2x2x1
jax: 0.10.2.dev20260603
libtpu: 0.0.44.dev20260713+nightly
codegen_flags: <defaults>
</compile_context>

<pallas_src>
import functools

import jax
import jax.numpy as jnp
from jax import lax
from jax.experimental import pallas as pl
from jax.experimental.pallas import tpu as pltpu
from jax.experimental.pallas import tpu_sc as plsc

_NUM_WORKERS = 32
_GRP = 16


def _emb_body(n_groups, rows_per_worker, idx_hbm, table_hbm, out_hbm,
              idx_v, buf_a, buf_b, gsem_a, gsem_b, ssem_a, ssem_b):
    wid = lax.axis_index("s") * 2 + lax.axis_index("c")
    base = wid * rows_per_worker
    pltpu.sync_copy(idx_hbm.at[pl.ds(base, rows_per_worker)], idx_v)

    def fire_gathers(g, buf, sem):
        for r in range(_GRP):
            pltpu.async_copy(
                table_hbm.at[idx_v.at[g * _GRP + r]],
                buf.at[r], sem)

    def drain_gathers(buf, sem):
        pltpu.make_async_copy(
            out_hbm.at[pl.ds(0, _GRP)], buf, sem).wait()

    def store_rows(g, buf, sem):
        return pltpu.async_copy(
            buf, out_hbm.at[pl.ds(base + g * _GRP, _GRP)], sem)

    fire_gathers(0, buf_a, gsem_a)

    @pl.loop(0, n_groups, step=2)
    def _(gi):
        fire_gathers(gi + 1, buf_b, gsem_b)
        drain_gathers(buf_a, gsem_a)
        store_rows(gi, buf_a, ssem_a).wait()

        @pl.when(gi + 2 < n_groups)
        def _():
            fire_gathers(gi + 2, buf_a, gsem_a)

        drain_gathers(buf_b, gsem_b)
        store_rows(gi + 1, buf_b, ssem_b).wait()


def kernel(inputs, embeddings):
    b, s = inputs.shape
    v, d = embeddings.shape
    rows_per_worker = b // _NUM_WORKERS
    n_groups = rows_per_worker // _GRP
    idx = inputs.astype(jnp.int32)

    mesh = plsc.VectorSubcoreMesh(core_axis_name="c", subcore_axis_name="s")
    emb = pl.kernel(
        functools.partial(_emb_body, n_groups, rows_per_worker),
        out_type=jax.ShapeDtypeStruct((b, s, d), jnp.float32),
        mesh=mesh,
        scratch_types=[
            pltpu.VMEM((rows_per_worker, s), jnp.int32),
            pltpu.VMEM((_GRP, s, d), jnp.float32),
            pltpu.VMEM((_GRP, s, d), jnp.float32),
            pltpu.SemaphoreType.DMA,
            pltpu.SemaphoreType.DMA,
            pltpu.SemaphoreType.DMA,
            pltpu.SemaphoreType.DMA,
        ],
        compiler_params=pltpu.CompilerParams(use_tc_tiling_on_sc=False),
    )
    return emb(idx, embeddings)

# --- scband reference (transcript-rebuilt; emitter-appended) ---
"""Pipeline reference for scband-embedding-8847632629858 (READ-ONLY COPY).

The authoritative reference and input builder live on the scoring server;
editing this copy changes nothing except your own understanding.
"""

import jax, jax.numpy as jnp
import numpy as np

VOCAB = 1000000
EMBED = 32

def setup_inputs(seed: int = 0) -> dict:
    key = jax.random.key(seed)
    k1, k2 = jax.random.split(key)
    inputs = jax.random.randint(k1, (16384, 50), 0, VOCAB, dtype=jnp.int64 if jax.config.jax_enable_x64 else jnp.int32)
    embeddings = jax.random.normal(k2, (VOCAB, EMBED), dtype=jnp.float32) * 0.02
    return {"inputs": inputs, "embeddings": embeddings}

def reference(inputs, embeddings):
    idx = inputs.astype(jnp.int32)
    return jnp.take(embeddings, idx, axis=0)

if __name__ == "__main__":
    import jax
    _d = setup_inputs()
    print(jax.jit(kernel)(*tuple(_d.values())))

</pallas_src>

<mosaic_0001>
#map = affine_map<(d0, d1) -> (0, 0)>
#map1 = affine_map<(d0, d1) -> (0, 0, 0)>
module attributes {stable_mosaic.version = 14 : i64} {
  func.func @_emb_body(%arg0: i32, %arg1: i32, %arg2: memref<16384x50xi32, #tpu.memory_space<hbm>>, %arg3: memref<1000000x32xf32, #tpu.memory_space<hbm>>, %arg4: memref<16384x50x32xf32, #tpu.memory_space<hbm>>, %arg5: memref<512x50xi32, #tpu.memory_space<vmem>>, %arg6: memref<16x50x32xf32, #tpu.memory_space<vmem>>, %arg7: memref<16x50x32xf32, #tpu.memory_space<vmem>>, %arg8: memref<!tpu.dma_semaphore, #tpu.memory_space<semaphore_mem>>, %arg9: memref<!tpu.dma_semaphore, #tpu.memory_space<semaphore_mem>>, %arg10: memref<!tpu.dma_semaphore, #tpu.memory_space<semaphore_mem>>, %arg11: memref<!tpu.dma_semaphore, #tpu.memory_space<semaphore_mem>>) attributes {dimension_semantics = [#tpu.dimension_semantics<core_parallel>, #tpu.dimension_semantics<subcore_parallel>], iteration_bounds = array<i64: 2, 16>, scalar_prefetch = 0 : i64, scratch_operands = 7 : i64, tpu.core_type = #tpu.core_type<sc_vector_subcore>, window_params = [{transform_indices = #map}, {transform_indices = #map}, {transform_indices = #map1}]} {
    %mul3A = arith.constant 2 : i32
    %mul3A_0 = arith.muli %arg1, %mul3A : i32
    %add3A = arith.addi %mul3A_0, %arg0 : i32
    %mul3A_1 = arith.constant 512 : i32
    %mul3A_2 = arith.muli %add3A, %mul3A_1 : i32
    "tpu.region"() ({
      %run_scoped3A = tpu.sem_alloc : memref<!tpu.dma_semaphore, #tpu.memory_space<semaphore_mem>>
      %dma_start3A_198 = arith.constant 0 : i32
      %dma_start3A_199 = tpu.memref_slice %arg2[%mul3A_2, %dma_start3A_198] : memref<16384x50xi32, #tpu.memory_space<hbm>> -> memref<512x50xi32, #tpu.memory_space<hbm>>
      %dma_start3A_200 = arith.constant 0 : i32
      %dma_start3A_201 = tpu.memref_slice %arg2[%mul3A_2, %dma_start3A_200] : memref<16384x50xi32, #tpu.memory_space<hbm>> -> memref<512x50xi32, #tpu.memory_space<hbm>>
      tpu.enqueue_dma source(%dma_start3A_201 : memref<512x50xi32, #tpu.memory_space<hbm>>) target(%arg5 : memref<512x50xi32, #tpu.memory_space<vmem>>) target_semaphore(%run_scoped3A : memref<!tpu.dma_semaphore, #tpu.memory_space<semaphore_mem>>)
      %dma_wait3A = arith.constant 0 : i32
      %dma_wait3A_202 = tpu.memref_slice %arg2[%mul3A_2, %dma_wait3A] : memref<16384x50xi32, #tpu.memory_space<hbm>> -> memref<512x50xi32, #tpu.memory_space<hbm>>
      %dma_wait3A_203 = arith.constant 0 : i32
      %dma_wait3A_204 = tpu.memref_slice %arg2[%mul3A_2, %dma_wait3A_203] : memref<16384x50xi32, #tpu.memory_space<hbm>> -> memref<512x50xi32, #tpu.memory_space<hbm>>
      tpu.wait_dma2 semaphore(%run_scoped3A : memref<!tpu.dma_semaphore, #tpu.memory_space<semaphore_mem>>) src(%dma_wait3A_204 : memref<512x50xi32, #tpu.memory_space<hbm>>) dst(%arg5 : memref<512x50xi32, #tpu.memory_space<vmem>>)
      tpu.yield
    }) : () -> ()
    %dma_start3A = arith.constant 0 : i32
    %dma_start3A_3 = arith.constant 0 : i32
    %dma_start3A_4 = arith.constant 0 : i32
    %dma_start3A_5 = arith.constant 0 : i32
    %dma_start3A_6 = tpu.memref_slice %arg6[%dma_start3A_3, %dma_start3A_4, %dma_start3A_5] : memref<16x50x32xf32, #tpu.memory_space<vmem>> -> memref<1x50x32xf32, #tpu.memory_space<vmem>>
    %dma_start3A_7 = tpu.memref_squeeze %dma_start3A_6 : memref<1x50x32xf32, #tpu.memory_space<vmem>> -> memref<50x32xf32, #tpu.memory_space<vmem>>
    %dma_start3A_8 = arith.constant 0 : i32
    %dma_start3A_9 = tpu.memref_slice %arg5[%dma_start3A, %dma_start3A_8] : memref<512x50xi32, #tpu.memory_space<vmem>> -> memref<1x50xi32, #tpu.memory_space<vmem>>
    %dma_start3A_10 = tpu.memref_squeeze %dma_start3A_9 : memref<1x50xi32, #tpu.memory_space<vmem>> -> memref<50xi32, #tpu.memory_space<vmem>>
    %dma_start3A_11 = arith.constant 0 : i32
    %dma_start3A_12 = arith.constant 0 : i32
    %dma_start3A_13 = tpu.memref_slice %arg3[%dma_start3A_11, %dma_start3A_12] : memref<1000000x32xf32, #tpu.memory_space<hbm>> -> memref<1000000x32xf32, #tpu.memory_space<hbm>>
    tpu.enqueue_indirect_dma source(%dma_start3A_13 : memref<1000000x32xf32, #tpu.memory_space<hbm>>) target(%dma_start3A_7 : memref<50x32xf32, #tpu.memory_space<vmem>>) offsets(%dma_start3A_10 : memref<50xi32, #tpu.memory_space<vmem>>) semaphore(%arg8 : memref<!tpu.dma_semaphore, #tpu.memory_space<semaphore_mem>>)
    %dma_start3A_14 = arith.constant 1 : i32
    %dma_start3A_15 = arith.constant 1 : i32
    %dma_start3A_16 = arith.constant 0 : i32
    %dma_start3A_17 = arith.constant 0 : i32
    %dma_start3A_18 = tpu.memref_slice %arg6[%dma_start3A_15, %dma_start3A_16, %dma_start3A_17] : memref<16x50x32xf32, #tpu.memory_space<vmem>> -> memref<1x50x32xf32, #tpu.memory_space<vmem>>
    %dma_start3A_19 = tpu.memref_squeeze %dma_start3A_18 : memref<1x50x32xf32, #tpu.memory_space<vmem>> -> memref<50x32xf32, #tpu.memory_space<vmem>>
    %dma_start3A_20 = arith.constant 0 : i32
    %dma_start3A_21 = tpu.memref_slice %arg5[%dma_start3A_14, %dma_start3A_20] : memref<512x50xi32, #tpu.memory_space<vmem>> -> memref<1x50xi32, #tpu.memory_space<vmem>>
    %dma_start3A_22 = tpu.memref_squeeze %dma_start3A_21 : memref<1x50xi32, #tpu.memory_space<vmem>> -> memref<50xi32, #tpu.memory_space<vmem>>
    %dma_start3A_23 = arith.constant 0 : i32
    %dma_start3A_24 = arith.constant 0 : i32
    %dma_start3A_25 = tpu.memref_slice %arg3[%dma_start3A_23, %dma_start3A_24] : memref<1000000x32xf32, #tpu.memory_space<hbm>> -> memref<1000000x32xf32, #tpu.memory_space<hbm>>
    tpu.enqueue_indirect_dma source(%dma_start3A_25 : memref<1000000x32xf32, #tpu.memory_space<hbm>>) target(%dma_start3A_19 : memref<50x32xf32, #tpu.memory_space<vmem>>) offsets(%dma_start3A_22 : memref<50xi32, #tpu.memory_space<vmem>>) semaphore(%arg8 : memref<!tpu.dma_semaphore, #tpu.memory_space<semaphore_mem>>)
    %dma_start3A_26 = arith.constant 2 : i32
    %dma_start3A_27 = arith.constant 2 : i32
    %dma_start3A_28 = arith.constant 0 : i32
    %dma_start3A_29 = arith.constant 0 : i32
    %dma_start3A_30 = tpu.memref_slice %arg6[%dma_start3A_27, %dma_start3A_28, %dma_start3A_29] : memref<16x50x32xf32, #tpu.memory_space<vmem>> -> memref<1x50x32xf32, #tpu.memory_space<vmem>>
    %dma_start3A_31 = tpu.memref_squeeze %dma_start3A_30 : memref<1x50x32xf32, #tpu.memory_space<vmem>> -> memref<50x32xf32, #tpu.memory_space<vmem>>
    %dma_start3A_32 = arith.constant 0 : i32
    %dma_start3A_33 = tpu.memref_slice %arg5[%dma_start3A_26, %dma_start3A_32] : memref<512x50xi32, #tpu.memory_space<vmem>> -> memref<1x50xi32, #tpu.memory_space<vmem>>
    %dma_start3A_34 = tpu.memref_squeeze %dma_start3A_33 : memref<1x50xi32, #tpu.memory_space<vmem>> -> memref<50xi32, #tpu.memory_space<vmem>>
    %dma_start3A_35 = arith.constant 0 : i32
    %dma_start3A_36 = arith.constant 0 : i32
    %dma_start3A_37 = tpu.memref_slice %arg3[%dma_start3A_35, %dma_start3A_36] : memref<1000000x32xf32, #tpu.memory_space<hbm>> -> memref<1000000x32xf32, #tpu.memory_space<hbm>>
    tpu.enqueue_indirect_dma source(%dma_start3A_37 : memref<1000000x32xf32, #tpu.memory_space<hbm>>) target(%dma_start3A_31 : memref<50x32xf32, #tpu.memory_space<vmem>>) offsets(%dma_start3A_34 : memref<50xi32, #tpu.memory_space<vmem>>) semaphore(%arg8 : memref<!tpu.dma_semaphore, #tpu.memory_space<semaphore_mem>>)
    %dma_start3A_38 = arith.constant 3 : i32
    %dma_start3A_39 = arith.constant 3 : i32
    %dma_start3A_40 = arith.constant 0 : i32
    %dma_start3A_41 = arith.constant 0 : i32
    %dma_start3A_42 = tpu.memref_slice %arg6[%dma_start3A_39, %dma_start3A_40, %dma_start3A_41] : memref<16x50x32xf32, #tpu.memory_space<vmem>> -> memref<1x50x32xf32, #tpu.memory_space<vmem>>
    %dma_start3A_43 = tpu.memref_squeeze %dma_start3A_42 : memref<1x50x32xf32, #tpu.memory_space<vmem>> -> memref<50x32xf32, #tpu.memory_space<vmem>>
    %dma_start3A_44 = arith.constant 0 : i32
    %dma_start3A_45 = tpu.memref_slice %arg5[%dma_start3A_38, %dma_start3A_44] : memref<512x50xi32, #tpu.memory_space<vmem>> -> memref<1x50xi32, #tpu.memory_space<vmem>>
    %dma_start3A_46 = tpu.memref_squeeze %dma_start3A_45 : memref<1x50xi32, #tpu.memory_space<vmem>> -> memref<50xi32, #tpu.memory_space<vmem>>
    %dma_start3A_47 = arith.constant 0 : i32
    %dma_start3A_48 = arith.constant 0 : i32
    %dma_start3A_49 = tpu.memref_slice %arg3[%dma_start3A_47, %dma_start3A_48] : memref<1000000x32xf32, #tpu.memory_space<hbm>> -> memref<1000000x32xf32, #tpu.memory_space<hbm>>
    tpu.enqueue_indirect_dma source(%dma_start3A_49 : memref<1000000x32xf32, #tpu.memory_space<hbm>>) target(%dma_start3A_43 : memref<50x32xf32, #tpu.memory_space<vmem>>) offsets(%dma_start3A_46 : memref<50xi32, #tpu.memory_space<vmem>>) semaphore(%arg8 : memref<!tpu.dma_semaphore, #tpu.memory_space<semaphore_mem>>)
    %dma_start3A_50 = arith.constant 4 : i32
    %dma_start3A_51 = arith.constant 4 : i32
    %dma_start3A_52 = arith.constant 0 : i32
    %dma_start3A_53 = arith.constant 0 : i32
    %dma_start3A_54 = tpu.memref_slice %arg6[%dma_start3A_51, %dma_start3A_52, %dma_start3A_53] : memref<16x50x32xf32, #tpu.memory_space<vmem>> -> memref<1x50x32xf32, #tpu.memory_space<vmem>>
    %dma_start3A_55 = tpu.memref_squeeze %dma_start3A_54 : memref<1x50x32xf32, #tpu.memory_space<vmem>> -> memref<50x32xf32, #tpu.memory_space<vmem>>
    %dma_start3A_56 = arith.constant 0 : i32
    %dma_start3A_57 = tpu.memref_slice %arg5[%dma_start3A_50, %dma_start3A_56] : memref<512x50xi32, #tpu.memory_space<vmem>> -> memref<1x50xi32, #tpu.memory_space<vmem>>
    %dma_start3A_58 = tpu.memref_squeeze %dma_start3A_57 : memref<1x50xi32, #tpu.memory_space<vmem>> -> memref<50xi32, #tpu.memory_space<vmem>>
    %dma_start3A_59 = arith.constant 0 : i32
    %dma_start3A_60 = arith.constant 0 : i32
    %dma_start3A_61 = tpu.memref_slice %arg3[%dma_start3A_59, %dma_start3A_60] : memref<1000000x32xf32, #tpu.memory_space<hbm>> -> memref<1000000x32xf32, #tpu.memory_space<hbm>>
    tpu.enqueue_indirect_dma source(%dma_start3A_61 : memref<1000000x32xf32, #tpu.memory_space<hbm>>) target(%dma_start3A_55 : memref<50x32xf32, #tpu.memory_space<vmem>>) offsets(%dma_start3A_58 : memref<50xi32, #tpu.memory_space<vmem>>) semaphore(%arg8 : memref<!tpu.dma_semaphore, #tpu.memory_space<semaphore_mem>>)
    %dma_start3A_62 = arith.constant 5 : i32
    %dma_start3A_63 = arith.constant 5 : i32
    %dma_start3A_64 = arith.constant 0 : i32
    %dma_start3A_65 = arith.constant 0 : i32
    %dma_start3A_66 = tpu.memref_slice %arg6[%dma_start3A_63, %dma_start3A_64, %dma_start3A_65] : memref<16x50x32xf32, #tpu.memory_space<vmem>> -> memref<1x50x32xf32, #tpu.memory_space<vmem>>
    %dma_start3A_67 = tpu.memref_squeeze %dma_start3A_66 : memref<1x50x32xf32, #tpu.memory_space<vmem>> -> memref<50x32xf32, #tpu.memory_space<vmem>>
    %dma_start3A_68 = arith.constant 0 : i32
    %dma_start3A_69 = tpu.memref_slice %arg5[%dma_start3A_62, %dma_start3A_68] : memref<512x50xi32, #tpu.memory_space<vmem>> -> memref<1x50xi32, #tpu.memory_space<vmem>>
    %dma_start3A_70 = tpu.memref_squeeze %dma_start3A_69 : memref<1x50xi32, #tpu.memory_space<vmem>> -> memref<50xi32, #tpu.memory_space<vmem>>
    %dma_start3A_71 = arith.constant 0 : i32
    %dma_start3A_72 = arith.constant 0 : i32
    %dma_start3A_73 = tpu.memref_slice %arg3[%dma_start3A_71, %dma_start3A_72] : memref<1000000x32xf32, #tpu.memory_space<hbm>> -> memref<1000000x32xf32, #tpu.memory_space<hbm>>
    tpu.enqueue_indirect_dma source(%dma_start3A_73 : memref<1000000x32xf32, #tpu.memory_space<hbm>>) target(%dma_start3A_67 : memref<50x32xf32, #tpu.memory_space<vmem>>) offsets(%dma_start3A_70 : memref<50xi32, #tpu.memory_space<vmem>>) semaphore(%arg8 : memref<!tpu.dma_semaphore, #tpu.memory_space<semaphore_mem>>)
    %dma_start3A_74 = arith.constant 6 : i32
    %dma_start3A_75 = arith.constant 6 : i32
    %dma_start3A_76 = arith.constant 0 : i32
    %dma_start3A_77 = arith.constant 0 : i32
    %dma_start3A_78 = tpu.memref_slice %arg6[%dma_start3A_75, %dma_start3A_76, %dma_start3A_77] : memref<16x50x32xf32, #tpu.memory_space<vmem>> -> memref<1x50x32xf32, #tpu.memory_space<vmem>>
    %dma_start3A_79 = tpu.memref_squeeze %dma_start3A_78 : memref<1x50x32xf32, #tpu.memory_space<vmem>> -> memref<50x32xf32, #tpu.memory_space<vmem>>
    %dma_start3A_80 = arith.constant 0 : i32
    %dma_start3A_81 = tpu.memref_slice %arg5[%dma_start3A_74, %dma_start3A_80] : memref<512x50xi32, #tpu.memory_space<vmem>> -> memref<1x50xi32, #tpu.memory_space<vmem>>
    %dma_start3A_82 = tpu.memref_squeeze %dma_start3A_81 : memref<1x50xi32, #tpu.memory_space<vmem>> -> memref<50xi32, #tpu.memory_space<vmem>>
    %dma_start3A_83 = arith.constant 0 : i32
    %dma_start3A_84 = arith.constant 0 : i32
    %dma_start3A_85 = tpu.memref_slice %arg3[%dma_start3A_83, %dma_start3A_84] : memref<1000000x32xf32, #tpu.memory_space<hbm>> -> memref<1000000x32xf32, #tpu.memory_space<hbm>>
    tpu.enqueue_indirect_dma source(%dma_start3A_85 : memref<1000000x32xf32, #tpu.memory_space<hbm>>) target(%dma_start3A_79 : memref<50x32xf32, #tpu.memory_space<vmem>>) offsets(%dma_start3A_82 : memref<50xi32, #tpu.memory_space<vmem>>) semaphore(%arg8 : memref<!tpu.dma_semaphore, #tpu.memory_space<semaphore_mem>>)
    %dma_start3A_86 = arith.constant 7 : i32
    %dma_start3A_87 = arith.constant 7 : i32
    %dma_start3A_88 = arith.constant 0 : i32
    %dma_start3A_89 = arith.constant 0 : i32
    %dma_start3A_90 = tpu.memref_slice %arg6[%dma_start3A_87, %dma_start3A_88, %dma_start3A_89] : memref<16x50x32xf32, #tpu.memory_space<vmem>> -> memref<1x50x32xf32, #tpu.memory_space<vmem>>
    %dma_start3A_91 = tpu.memref_squeeze %dma_start3A_90 : memref<1x50x32xf32, #tpu.memory_space<vmem>> -> memref<50x32xf32, #tpu.memory_space<vmem>>
    %dma_start3A_92 = arith.constant 0 : i32
    %dma_start3A_93 = tpu.memref_slice %arg5[%dma_start3A_86, %dma_start3A_92] : memref<512x50xi32, #tpu.memory_space<vmem>> -> memref<1x50xi32, #tpu.memory_space<vmem>>
    %dma_start3A_94 = tpu.memref_squeeze %dma_start3A_93 : memref<1x50xi32, #tpu.memory_space<vmem>> -> memref<50xi32, #tpu.memory_space<vmem>>
    %dma_start3A_95 = arith.constant 0 : i32
    %dma_start3A_96 = arith.constant 0 : i32
    %dma_start3A_97 = tpu.memref_slice %arg3[%dma_start3A_95, %dma_start3A_96] : memref<1000000x32xf32, #tpu.memory_space<hbm>> -> memref<1000000x32xf32, #tpu.memory_space<hbm>>
    tpu.enqueue_indirect_dma source(%dma_start3A_97 : memref<1000000x32xf32, #tpu.memory_space<hbm>>) target(%dma_start3A_91 : memref<50x32xf32, #tpu.memory_space<vmem>>) offsets(%dma_start3A_94 : memref<50xi32, #tpu.memory_space<vmem>>) semaphore(%arg8 : memref<!tpu.dma_semaphore, #tpu.memory_space<semaphore_mem>>)
    %dma_start3A_98 = arith.constant 8 : i32
    %dma_start3A_99 = arith.constant 8 : i32
    %dma_start3A_100 = arith.constant 0 : i32
    %dma_start3A_101 = arith.constant 0 : i32
    %dma_start3A_102 = tpu.memref_slice %arg6[%dma_start3A_99, %dma_start3A_100, %dma_start3A_101] : memref<16x50x32xf32, #tpu.memory_space<vmem>> -> memref<1x50x32xf32, #tpu.memory_space<vmem>>
    %dma_start3A_103 = tpu.memref_squeeze %dma_start3A_102 : memref<1x50x32xf32, #tpu.memory_space<vmem>> -> memref<50x32xf32, #tpu.memory_space<vmem>>
    %dma_start3A_104 = arith.constant 0 : i32
    %dma_start3A_105 = tpu.memref_slice %arg5[%dma_start3A_98, %dma_start3A_104] : memref<512x50xi32, #tpu.memory_space<vmem>> -> memref<1x50xi32, #tpu.memory_space<vmem>>
    %dma_start3A_106 = tpu.memref_squeeze %dma_start3A_105 : memref<1x50xi32, #tpu.memory_space<vmem>> -> memref<50xi32, #tpu.memory_space<vmem>>
    %dma_start3A_107 = arith.constant 0 : i32
    %dma_start3A_108 = arith.constant 0 : i32
    %dma_start3A_109 = tpu.memref_slice %arg3[%dma_start3A_107, %dma_start3A_108] : memref<1000000x32xf32, #tpu.memory_space<hbm>> -> memref<1000000x32xf32, #tpu.memory_space<hbm>>
    tpu.enqueue_indirect_dma source(%dma_start3A_109 : memref<1000000x32xf32, #tpu.memory_space<hbm>>) target(%dma_start3A_103 : memref<50x32xf32, #tpu.memory_space<vmem>>) offsets(%dma_start3A_106 : memref<50xi32, #tpu.memory_space<vmem>>) semaphore(%arg8 : memref<!tpu.dma_semaphore, #tpu.memory_space<semaphore_mem>>)
    %dma_start3A_110 = arith.constant 9 : i32
    %dma_start3A_111 = arith.constant 9 : i32
    %dma_start3A_112 = arith.constant 0 : i32
    %dma_start3A_113 = arith.constant 0 : i32
    %dma_start3A_114 = tpu.memref_slice %arg6[%dma_start3A_111, %dma_start3A_112, %dma_start3A_113] : memref<16x50x32xf32, #tpu.memory_space<vmem>> -> memref<1x50x32xf32, #tpu.memory_space<vmem>>
    %dma_start3A_115 = tpu.memref_squeeze %dma_start3A_114 : memref<1x50x32xf32, #tpu.memory_space<vmem>> -> memref<50x32xf32, #tpu.memory_space<vmem>>
    %dma_start3A_116 = arith.constant 0 : i32
    %dma_start3A_117 = tpu.memref_slice %arg5[%dma_start3A_110, %dma_start3A_116] : memref<512x50xi32, #tpu.memory_space<vmem>> -> memref<1x50xi32, #tpu.memory_space<vmem>>
    %dma_start3A_118 = tpu.memref_squeeze %dma_start3A_117 : memref<1x50xi32, #tpu.memory_space<vmem>> -> memref<50xi32, #tpu.memory_space<vmem>>
    %dma_start3A_119 = arith.constant 0 : i32
    %dma_start3A_120 = arith.constant 0 : i32
    %dma_start3A_121 = tpu.memref_slice %arg3[%dma_start3A_119, %dma_start3A_120] : memref<1000000x32xf32, #tpu.memory_space<hbm>> -> memref<1000000x32xf32, #tpu.memory_space<hbm>>
    tpu.enqueue_indirect_dma source(%dma_start3A_121 : memref<1000000x32xf32, #tpu.memory_space<hbm>>) target(%dma_start3A_115 : memref<50x32xf32, #tpu.memory_space<vmem>>) offsets(%dma_start3A_118 : memref<50xi32, #tpu.memory_space<vmem>>) semaphore(%arg8 : memref<!tpu.dma_semaphore, #tpu.memory_space<semaphore_mem>>)
    %dma_start3A_122 = arith.constant 10 : i32
    %dma_start3A_123 = arith.constant 10 : i32
    %dma_start3A_124 = arith.constant 0 : i32
    %dma_start3A_125 = arith.constant 0 : i32
    %dma_start3A_126 = tpu.memref_slice %arg6[%dma_start3A_123, %dma_start3A_124, %dma_start3A_125] : memref<16x50x32xf32, #tpu.memory_space<vmem>> -> memref<1x50x32xf32, #tpu.memory_space<vmem>>
    %dma_start3A_127 = tpu.memref_squeeze %dma_start3A_126 : memref<1x50x32xf32, #tpu.memory_space<vmem>> -> memref<50x32xf32, #tpu.memory_space<vmem>>
    %dma_start3A_128 = arith.constant 0 : i32
    %dma_start3A_129 = tpu.memref_slice %arg5[%dma_start3A_122, %dma_start3A_128] : memref<512x50xi32, #tpu.memory_space<vmem>> -> memref<1x50xi32, #tpu.memory_space<vmem>>
    %dma_start3A_130 = tpu.memref_squeeze %dma_start3A_129 : memref<1x50xi32, #tpu.memory_space<vmem>> -> memref<50xi32, #tpu.memory_space<vmem>>
    %dma_start3A_131 = arith.constant 0 : i32
    %dma_start3A_132 = arith.constant 0 : i32
    %dma_start3A_133 = tpu.memref_slice %arg3[%dma_start3A_131, %dma_start3A_132] : memref<1000000x32xf32, #tpu.memory_space<hbm>> -> memref<1000000x32xf32, #tpu.memory_space<hbm>>
    tpu.enqueue_indirect_dma source(%dma_start3A_133 : memref<1000000x32xf32, #tpu.memory_space<hbm>>) target(%dma_start3A_127 : memref<50x32xf32, #tpu.memory_space<vmem>>) offsets(%dma_start3A_130 : memref<50xi32, #tpu.memory_space<vmem>>) semaphore(%arg8 : memref<!tpu.dma_semaphore, #tpu.memory_space<semaphore_mem>>)
    %dma_start3A_134 = arith.constant 11 : i32
    %dma_start3A_135 = arith.constant 11 : i32
    %dma_start3A_136 = arith.constant 0 : i32
    %dma_start3A_137 = arith.constant 0 : i32
    %dma_start3A_138 = tpu.memref_slice %arg6[%dma_start3A_135, %dma_start3A_136, %dma_start3A_137] : memref<16x50x32xf32, #tpu.memory_space<vmem>> -> memref<1x50x32xf32, #tpu.memory_space<vmem>>
    %dma_start3A_139 = tpu.memref_squeeze %dma_start3A_138 : memref<1x50x32xf32, #tpu.memory_space<vmem>> -> memref<50x32xf32, #tpu.memory_space<vmem>>
    %dma_start3A_140 = arith.constant 0 : i32
    %dma_start3A_141 = tpu.memref_slice %arg5[%dma_start3A_134, %dma_start3A_140] : memref<512x50xi32, #tpu.memory_space<vmem>> -> memref<1x50xi32, #tpu.memory_space<vmem>>
    %dma_start3A_142 = tpu.memref_squeeze %dma_start3A_141 : memref<1x50xi32, #tpu.memory_space<vmem>> -> memref<50xi32, #tpu.memory_space<vmem>>
    %dma_start3A_143 = arith.constant 0 : i32
    %dma_start3A_144 = arith.constant 0 : i32
    %dma_start3A_145 = tpu.memref_slice %arg3[%dma_start3A_143, %dma_start3A_144] : memref<1000000x32xf32, #tpu.memory_space<hbm>> -> memref<1000000x32xf32, #tpu.memory_space<hbm>>
    tpu.enqueue_indirect_dma source(%dma_start3A_145 : memref<1000000x32xf32, #tpu.memory_space<hbm>>) target(%dma_start3A_139 : memref<50x32xf32, #tpu.memory_space<vmem>>) offsets(%dma_start3A_142 : memref<50xi32, #tpu.memory_space<vmem>>) semaphore(%arg8 : memref<!tpu.dma_semaphore, #tpu.memory_space<semaphore_mem>>)
    %dma_start3A_146 = arith.constant 12 : i32
    %dma_start3A_147 = arith.constant 12 : i32
    %dma_start3A_148 = arith.constant 0 : i32
    %dma_start3A_149 = arith.constant 0 : i32
    %dma_start3A_150 = tpu.memref_slice %arg6[%dma_start3A_147, %dma_start3A_148, %dma_start3A_149] : memref<16x50x32xf32, #tpu.memory_space<vmem>> -> memref<1x50x32xf32, #tpu.memory_space<vmem>>
    %dma_start3A_151 = tpu.memref_squeeze %dma_start3A_150 : memref<1x50x32xf32, #tpu.memory_space<vmem>> -> memref<50x32xf32, #tpu.memory_space<vmem>>
    %dma_start3A_152 = arith.constant 0 : i32
    %dma_start3A_153 = tpu.memref_slice %arg5[%dma_start3A_146, %dma_start3A_152] : memref<512x50xi32, #tpu.memory_space<vmem>> -> memref<1x50xi32, #tpu.memory_space<vmem>>
    %dma_start3A_154 = tpu.memref_squeeze %dma_start3A_153 : memref<1x50xi32, #tpu.memory_space<vmem>> -> memref<50xi32, #tpu.memory_space<vmem>>
    %dma_start3A_155 = arith.constant 0 : i32
    %dma_start3A_156 = arith.constant 0 : i32
    %dma_start3A_157 = tpu.memref_slice %arg3[%dma_start3A_155, %dma_start3A_156] : memref<1000000x32xf32, #tpu.memory_space<hbm>> -> memref<1000000x32xf32, #tpu.memory_space<hbm>>
    tpu.enqueue_indirect_dma source(%dma_start3A_157 : memref<1000000x32xf32, #tpu.memory_space<hbm>>) target(%dma_start3A_151 : memref<50x32xf32, #tpu.memory_space<vmem>>) offsets(%dma_start3A_154 : memref<50xi32, #tpu.memory_space<vmem>>) semaphore(%arg8 : memref<!tpu.dma_semaphore, #tpu.memory_space<semaphore_mem>>)
    %dma_start3A_158 = arith.constant 13 : i32
    %dma_start3A_159 = arith.constant 13 : i32
    %dma_start3A_160 = arith.constant 0 : i32
    %dma_start3A_161 = arith.constant 0 : i32
    %dma_start3A_162 = tpu.memref_slice %arg6[%dma_start3A_159, %dma_start3A_160, %dma_start3A_161] : memref<16x50x32xf32, #tpu.memory_space<vmem>> -> memref<1x50x32xf32, #tpu.memory_space<vmem>>
    %dma_start3A_163 = tpu.memref_squeeze %dma_start3A_162 : memref<1x50x32xf32, #tpu.memory_space<vmem>> -> memref<50x32xf32, #tpu.memory_space<vmem>>
    %dma_start3A_164 = arith.constant 0 : i32
    %dma_start3A_165 = tpu.memref_slice %arg5[%dma_start3A_158, %dma_start3A_164] : memref<512x50xi32, #tpu.memory_space<vmem>> -> memref<1x50xi32, #tpu.memory_space<vmem>>
    %dma_start3A_166 = tpu.memref_squeeze %dma_start3A_165 : memref<1x50xi32, #tpu.memory_space<vmem>> -> memref<50xi32, #tpu.memory_space<vmem>>
    %dma_start3A_167 = arith.constant 0 : i32
    %dma_start3A_168 = arith.constant 0 : i32
    %dma_start3A_169 = tpu.memref_slice %arg3[%dma_start3A_167, %dma_start3A_168] : memref<1000000x32xf32, #tpu.memory_space<hbm>> -> memref<1000000x32xf32, #tpu.memory_space<hbm>>
    tpu.enqueue_indirect_dma source(%dma_start3A_169 : memref<1000000x32xf32, #tpu.memory_space<hbm>>) target(%dma_start3A_163 : memref<50x32xf32, #tpu.memory_space<vmem>>) offsets(%dma_start3A_166 : memref<50xi32, #tpu.memory_space<vmem>>) semaphore(%arg8 : memref<!tpu.dma_semaphore, #tpu.memory_space<semaphore_mem>>)
    %dma_start3A_170 = arith.constant 14 : i32
    %dma_start3A_171 = arith.constant 14 : i32
    %dma_start3A_172 = arith.constant 0 : i32
    %dma_start3A_173 = arith.constant 0 : i32
    %dma_start3A_174 = tpu.memref_slice %arg6[%dma_start3A_171, %dma_start3A_172, %dma_start3A_173] : memref<16x50x32xf32, #tpu.memory_space<vmem>> -> memref<1x50x32xf32, #tpu.memory_space<vmem>>
    %dma_start3A_175 = tpu.memref_squeeze %dma_start3A_174 : memref<1x50x32xf32, #tpu.memory_space<vmem>> -> memref<50x32xf32, #tpu.memory_space<vmem>>
    %dma_start3A_176 = arith.constant 0 : i32
    %dma_start3A_177 = tpu.memref_slice %arg5[%dma_start3A_170, %dma_start3A_176] : memref<512x50xi32, #tpu.memory_space<vmem>> -> memref<1x50xi32, #tpu.memory_space<vmem>>
    %dma_start3A_178 = tpu.memref_squeeze %dma_start3A_177 : memref<1x50xi32, #tpu.memory_space<vmem>> -> memref<50xi32, #tpu.memory_space<vmem>>
    %dma_start3A_179 = arith.constant 0 : i32
    %dma_start3A_180 = arith.constant 0 : i32
    %dma_start3A_181 = tpu.memref_slice %arg3[%dma_start3A_179, %dma_start3A_180] : memref<1000000x32xf32, #tpu.memory_space<hbm>> -> memref<1000000x32xf32, #tpu.memory_space<hbm>>
    tpu.enqueue_indirect_dma source(%dma_start3A_181 : memref<1000000x32xf32, #tpu.memory_space<hbm>>) target(%dma_start3A_175 : memref<50x32xf32, #tpu.memory_space<vmem>>) offsets(%dma_start3A_178 : memref<50xi32, #tpu.memory_space<vmem>>) semaphore(%arg8 : memref<!tpu.dma_semaphore, #tpu.memory_space<semaphore_mem>>)
    %dma_start3A_182 = arith.constant 15 : i32
    %dma_start3A_183 = arith.constant 15 : i32
    %dma_start3A_184 = arith.constant 0 : i32
    %dma_start3A_185 = arith.constant 0 : i32
    %dma_start3A_186 = tpu.memref_slice %arg6[%dma_start3A_183, %dma_start3A_184, %dma_start3A_185] : memref<16x50x32xf32, #tpu.memory_space<vmem>> -> memref<1x50x32xf32, #tpu.memory_space<vmem>>
    %dma_start3A_187 = tpu.memref_squeeze %dma_start3A_186 : memref<1x50x32xf32, #tpu.memory_space<vmem>> -> memref<50x32xf32, #tpu.memory_space<vmem>>
    %dma_start3A_188 = arith.constant 0 : i32
    %dma_start3A_189 = tpu.memref_slice %arg5[%dma_start3A_182, %dma_start3A_188] : memref<512x50xi32, #tpu.memory_space<vmem>> -> memref<1x50xi32, #tpu.memory_space<vmem>>
    %dma_start3A_190 = tpu.memref_squeeze %dma_start3A_189 : memref<1x50xi32, #tpu.memory_space<vmem>> -> memref<50xi32, #tpu.memory_space<vmem>>
    %dma_start3A_191 = arith.constant 0 : i32
    %dma_start3A_192 = arith.constant 0 : i32
    %dma_start3A_193 = tpu.memref_slice %arg3[%dma_start3A_191, %dma_start3A_192] : memref<1000000x32xf32, #tpu.memory_space<hbm>> -> memref<1000000x32xf32, #tpu.memory_space<hbm>>
    tpu.enqueue_indirect_dma source(%dma_start3A_193 : memref<1000000x32xf32, #tpu.memory_space<hbm>>) target(%dma_start3A_187 : memref<50x32xf32, #tpu.memory_space<vmem>>) offsets(%dma_start3A_190 : memref<50xi32, #tpu.memory_space<vmem>>) semaphore(%arg8 : memref<!tpu.dma_semaphore, #tpu.memory_space<semaphore_mem>>)
    %scan3A = arith.constant 0 : i32
    %scan3A_194 = arith.constant 16 : i32
    %scan3A_195 = arith.addi %scan3A, %scan3A_194 : i32
    %scan3A_196 = arith.constant 1 : i32
    scf.for %scan3A_198 = %scan3A to %scan3A_195 step %scan3A_196  : i32 {
      %mul3A_199 = arith.constant 2 : i32
      %mul3A_200 = arith.muli %scan3A_198, %mul3A_199 : i32
      %add3A_201 = arith.constant 0 : i32
      %add3A_202 = arith.addi %add3A_201, %mul3A_200 : i32
      %add3A_203 = arith.constant 1 : i32
      %add3A_204 = arith.addi %add3A_202, %add3A_203 : i32
      %mul3A_205 = arith.constant 16 : i32
      %mul3A_206 = arith.muli %add3A_204, %mul3A_205 : i32
      %add3A_207 = arith.constant 0 : i32
      %add3A_208 = arith.addi %mul3A_206, %add3A_207 : i32
      %dma_start3A_209 = arith.constant 0 : i32
      %dma_start3A_210 = arith.constant 0 : i32
      %dma_start3A_211 = arith.constant 0 : i32
      %dma_start3A_212 = tpu.memref_slice %arg7[%dma_start3A_209, %dma_start3A_210, %dma_start3A_211] : memref<16x50x32xf32, #tpu.memory_space<vmem>> -> memref<1x50x32xf32, #tpu.memory_space<vmem>>
      %dma_start3A_213 = tpu.memref_squeeze %dma_start3A_212 : memref<1x50x32xf32, #tpu.memory_space<vmem>> -> memref<50x32xf32, #tpu.memory_space<vmem>>
      %dma_start3A_214 = arith.constant 0 : i32
      %dma_start3A_215 = tpu.memref_slice %arg5[%add3A_208, %dma_start3A_214] : memref<512x50xi32, #tpu.memory_space<vmem>> -> memref<1x50xi32, #tpu.memory_space<vmem>>
      %dma_start3A_216 = tpu.memref_squeeze %dma_start3A_215 : memref<1x50xi32, #tpu.memory_space<vmem>> -> memref<50xi32, #tpu.memory_space<vmem>>
      %dma_start3A_217 = arith.constant 0 : i32
      %dma_start3A_218 = arith.constant 0 : i32
      %dma_start3A_219 = tpu.memref_slice %arg3[%dma_start3A_217, %dma_start3A_218] : memref<1000000x32xf32, #tpu.memory_space<hbm>> -> memref<1000000x32xf32, #tpu.memory_space<hbm>>
      tpu.enqueue_indirect_dma source(%dma_start3A_219 : memref<1000000x32xf32, #tpu.memory_space<hbm>>) target(%dma_start3A_213 : memref<50x32xf32, #tpu.memory_space<vmem>>) offsets(%dma_start3A_216 : memref<50xi32, #tpu.memory_space<vmem>>) semaphore(%arg9 : memref<!tpu.dma_semaphore, #tpu.memory_space<semaphore_mem>>)
      %mul3A_220 = arith.constant 16 : i32
      %mul3A_221 = arith.muli %add3A_204, %mul3A_220 : i32
      %add3A_222 = arith.constant 1 : i32
      %add3A_223 = arith.addi %mul3A_221, %add3A_222 : i32
      %dma_start3A_224 = arith.constant 1 : i32
      %dma_start3A_225 = arith.constant 0 : i32
      %dma_start3A_226 = arith.constant 0 : i32
      %dma_start3A_227 = tpu.memref_slice %arg7[%dma_start3A_224, %dma_start3A_225, %dma_start3A_226] : memref<16x50x32xf32, #tpu.memory_space<vmem>> -> memref<1x50x32xf32, #tpu.memory_space<vmem>>
      %dma_start3A_228 = tpu.memref_squeeze %dma_start3A_227 : memref<1x50x32xf32, #tpu.memory_space<vmem>> -> memref<50x32xf32, #tpu.memory_space<vmem>>
      %dma_start3A_229 = arith.constant 0 : i32
      %dma_start3A_230 = tpu.memref_slice %arg5[%add3A_223, %dma_start3A_229] : memref<512x50xi32, #tpu.memory_space<vmem>> -> memref<1x50xi32, #tpu.memory_space<vmem>>
      %dma_start3A_231 = tpu.memref_squeeze %dma_start3A_230 : memref<1x50xi32, #tpu.memory_space<vmem>> -> memref<50xi32, #tpu.memory_space<vmem>>
      %dma_start3A_232 = arith.constant 0 : i32
      %dma_start3A_233 = arith.constant 0 : i32
      %dma_start3A_234 = tpu.memref_slice %arg3[%dma_start3A_232, %dma_start3A_233] : memref<1000000x32xf32, #tpu.memory_space<hbm>> -> memref<1000000x32xf32, #tpu.memory_space<hbm>>
      tpu.enqueue_indirect_dma source(%dma_start3A_234 : memref<1000000x32xf32, #tpu.memory_space<hbm>>) target(%dma_start3A_228 : memref<50x32xf32, #tpu.memory_space<vmem>>) offsets(%dma_start3A_231 : memref<50xi32, #tpu.memory_space<vmem>>) semaphore(%arg9 : memref<!tpu.dma_semaphore, #tpu.memory_space<semaphore_mem>>)
      %mul3A_235 = arith.constant 16 : i32
      %mul3A_236 = arith.muli %add3A_204, %mul3A_235 : i32
      %add3A_237 = arith.constant 2 : i32
      %add3A_238 = arith.addi %mul3A_236, %add3A_237 : i32
      %dma_start3A_239 = arith.constant 2 : i32
      %dma_start3A_240 = arith.constant 0 : i32
      %dma_start3A_241 = arith.constant 0 : i32
      %dma_start3A_242 = tpu.memref_slice %arg7[%dma_start3A_239, %dma_start3A_240, %dma_start3A_241] : memref<16x50x32xf32, #tpu.memory_space<vmem>> -> memref<1x50x32xf32, #tpu.memory_space<vmem>>
      %dma_start3A_243 = tpu.memref_squeeze %dma_start3A_242 : memref<1x50x32xf32, #tpu.memory_space<vmem>> -> memref<50x32xf32, #tpu.memory_space<vmem>>
      %dma_start3A_244 = arith.constant 0 : i32
      %dma_start3A_245 = tpu.memref_slice %arg5[%add3A_238, %dma_start3A_244] : memref<512x50xi32, #tpu.memory_space<vmem>> -> memref<1x50xi32, #tpu.memory_space<vmem>>
      %dma_start3A_246 = tpu.memref_squeeze %dma_start3A_245 : memref<1x50xi32, #tpu.memory_space<vmem>> -> memref<50xi32, #tpu.memory_space<vmem>>
      %dma_start3A_247 = arith.constant 0 : i32
      %dma_start3A_248 = arith.constant 0 : i32
      %dma_start3A_249 = tpu.memref_slice %arg3[%dma_start3A_247, %dma_start3A_248] : memref<1000000x32xf32, #tpu.memory_space<hbm>> -> memref<1000000x32xf32, #tpu.memory_space<hbm>>
      tpu.enqueue_indirect_dma source(%dma_start3A_249 : memref<1000000x32xf32, #tpu.memory_space<hbm>>) target(%dma_start3A_243 : memref<50x32xf32, #tpu.memory_space<vmem>>) offsets(%dma_start3A_246 : memref<50xi32, #tpu.memory_space<vmem>>) semaphore(%arg9 : memref<!tpu.dma_semaphore, #tpu.memory_space<semaphore_mem>>)
      %mul3A_250 = arith.constant 16 : i32
      %mul3A_251 = arith.muli %add3A_204, %mul3A_250 : i32
      %add3A_252 = arith.constant 3 : i32
      %add3A_253 = arith.addi %mul3A_251, %add3A_252 : i32
      %dma_start3A_254 = arith.constant 3 : i32
      %dma_start3A_255 = arith.constant 0 : i32
      %dma_start3A_256 = arith.constant 0 : i32
      %dma_start3A_257 = tpu.memref_slice %arg7[%dma_start3A_254, %dma_start3A_255, %dma_start3A_256] : memref<16x50x32xf32, #tpu.memory_space<vmem>> -> memref<1x50x32xf32, #tpu.memory_space<vmem>>
      %dma_start3A_258 = tpu.memref_squeeze %dma_start3A_257 : memref<1x50x32xf32, #tpu.memory_space<vmem>> -> memref<50x32xf32, #tpu.memory_space<vmem>>
      %dma_start3A_259 = arith.constant 0 : i32
      %dma_start3A_260 = tpu.memref_slice %arg5[%add3A_253, %dma_start3A_259] : memref<512x50xi32, #tpu.memory_space<vmem>> -> memref<1x50xi32, #tpu.memory_space<vmem>>
      %dma_start3A_261 = tpu.memref_squeeze %dma_start3A_260 : memref<1x50xi32, #tpu.memory_space<vmem>> -> memref<50xi32, #tpu.memory_space<vmem>>
      %dma_start3A_262 = arith.constant 0 : i32
      %dma_start3A_263 = arith.constant 0 : i32
      %dma_start3A_264 = tpu.memref_slice %arg3[%dma_start3A_262, %dma_start3A_263] : memref<1000000x32xf32, #tpu.memory_space<hbm>> -> memref<1000000x32xf32, #tpu.memory_space<hbm>>
      tpu.enqueue_indirect_dma source(%dma_start3A_264 : memref<1000000x32xf32, #tpu.memory_space<hbm>>) target(%dma_start3A_258 : memref<50x32xf32, #tpu.memory_space<vmem>>) offsets(%dma_start3A_261 : memref<50xi32, #tpu.memory_space<vmem>>) semaphore(%arg9 : memref<!tpu.dma_semaphore, #tpu.memory_space<semaphore_mem>>)
      %mul3A_265 = arith.constant 16 : i32
      %mul3A_266 = arith.muli %add3A_204, %mul3A_265 : i32
      %add3A_267 = arith.constant 4 : i32
      %add3A_268 = arith.addi %mul3A_266, %add3A_267 : i32
      %dma_start3A_269 = arith.constant 4 : i32
      %dma_start3A_270 = arith.constant 0 : i32
      %dma_start3A_271 = arith.constant 0 : i32
      %dma_start3A_272 = tpu.memref_slice %arg7[%dma_start3A_269, %dma_start3A_270, %dma_start3A_271] : memref<16x50x32xf32, #tpu.memory_space<vmem>> -> memref<1x50x32xf32, #tpu.memory_space<vmem>>
      %dma_start3A_273 = tpu.memref_squeeze %dma_start3A_272 : memref<1x50x32xf32, #tpu.memory_space<vmem>> -> memref<50x32xf32, #tpu.memory_space<vmem>>
      %dma_start3A_274 = arith.constant 0 : i32
      %dma_start3A_275 = tpu.memref_slice %arg5[%add3A_268, %dma_start3A_274] : memref<512x50xi32, #tpu.memory_space<vmem>> -> memref<1x50xi32, #tpu.memory_space<vmem>>
      %dma_start3A_276 = tpu.memref_squeeze %dma_start3A_275 : memref<1x50xi32, #tpu.memory_space<vmem>> -> memref<50xi32, #tpu.memory_space<vmem>>
      %dma_start3A_277 = arith.constant 0 : i32
      %dma_start3A_278 = arith.constant 0 : i32
      %dma_start3A_279 = tpu.memref_slice %arg3[%dma_start3A_277, %dma_start3A_278] : memref<1000000x32xf32, #tpu.memory_space<hbm>> -> memref<1000000x32xf32, #tpu.memory_space<hbm>>
      tpu.enqueue_indirect_dma source(%dma_start3A_279 : memref<1000000x32xf32, #tpu.memory_space<hbm>>) target(%dma_start3A_273 : memref<50x32xf32, #tpu.memory_space<vmem>>) offsets(%dma_start3A_276 : memref<50xi32, #tpu.memory_space<vmem>>) semaphore(%arg9 : memref<!tpu.dma_semaphore, #tpu.memory_space<semaphore_mem>>)
      %mul3A_280 = arith.constant 16 : i32
      %mul3A_281 = arith.muli %add3A_204, %mul3A_280 : i32
      %add3A_282 = arith.constant 5 : i32
      %add3A_283 = arith.addi %mul3A_281, %add3A_282 : i32
      %dma_start3A_284 = arith.constant 5 : i32
      %dma_start3A_285 = arith.constant 0 : i32
      %dma_start3A_286 = arith.constant 0 : i32
      %dma_start3A_287 = tpu.memref_slice %arg7[%dma_start3A_284, %dma_start3A_285, %dma_start3A_286] : memref<16x50x32xf32, #tpu.memory_space<vmem>> -> memref<1x50x32xf32, #tpu.memory_space<vmem>>
      %dma_start3A_288 = tpu.memref_squeeze %dma_start3A_287 : memref<1x50x32xf32, #tpu.memory_space<vmem>> -> memref<50x32xf32, #tpu.memory_space<vmem>>
      %dma_start3A_289 = arith.constant 0 : i32
      %dma_start3A_290 = tpu.memref_slice %arg5[%add3A_283, %dma_start3A_289] : memref<512x50xi32, #tpu.memory_space<vmem>> -> memref<1x50xi32, #tpu.memory_space<vmem>>
      %dma_start3A_291 = tpu.memref_squeeze %dma_start3A_290 : memref<1x50xi32, #tpu.memory_space<vmem>> -> memref<50xi32, #tpu.memory_space<vmem>>
      %dma_start3A_292 = arith.constant 0 : i32
      %dma_start3A_293 = arith.constant 0 : i32
      %dma_start3A_294 = tpu.memref_slice %arg3[%dma_start3A_292, %dma_start3A_293] : memref<1000000x32xf32, #tpu.memory_space<hbm>> -> memref<1000000x32xf32, #tpu.memory_space<hbm>>
      tpu.enqueue_indirect_dma source(%dma_start3A_294 : memref<1000000x32xf32, #tpu.memory_space<hbm>>) target(%dma_start3A_288 : memref<50x32xf32, #tpu.memory_space<vmem>>) offsets(%dma_start3A_291 : memref<50xi32, #tpu.memory_space<vmem>>) semaphore(%arg9 : memref<!tpu.dma_semaphore, #tpu.memory_space<semaphore_mem>>)
      %mul3A_295 = arith.constant 16 : i32
      %mul3A_296 = arith.muli %add3A_204, %mul3A_295 : i32
      %add3A_297 = arith.constant 6 : i32
      %add3A_298 = arith.addi %mul3A_296, %add3A_297 : i32
      %dma_start3A_299 = arith.constant 6 : i32
      %dma_start3A_300 = arith.constant 0 : i32
      %dma_start3A_301 = arith.constant 0 : i32
      %dma_start3A_302 = tpu.memref_slice %arg7[%dma_start3A_299, %dma_start3A_300, %dma_start3A_301] : memref<16x50x32xf32, #tpu.memory_space<vmem>> -> memref<1x50x32xf32, #tpu.memory_space<vmem>>
      %dma_start3A_303 = tpu.memref_squeeze %dma_start3A_302 : memref<1x50x32xf32, #tpu.memory_space<vmem>> -> memref<50x32xf32, #tpu.memory_space<vmem>>
      %dma_start3A_304 = arith.constant 0 : i32
      %dma_start3A_305 = tpu.memref_slice %arg5[%add3A_298, %dma_start3A_304] : memref<512x50xi32, #tpu.memory_space<vmem>> -> memref<1x50xi32, #tpu.memory_space<vmem>>
      %dma_start3A_306 = tpu.memref_squeeze %dma_start3A_305 : memref<1x50xi32, #tpu.memory_space<vmem>> -> memref<50xi32, #tpu.memory_space<vmem>>
      %dma_start3A_307 = arith.constant 0 : i32
      %dma_start3A_308 = arith.constant 0 : i32
      %dma_start3A_309 = tpu.memref_slice %arg3[%dma_start3A_307, %dma_start3A_308] : memref<1000000x32xf32, #tpu.memory_space<hbm>> -> memref<1000000x32xf32, #tpu.memory_space<hbm>>
      tpu.enqueue_indirect_dma source(%dma_start3A_309 : memref<1000000x32xf32, #tpu.memory_space<hbm>>) target(%dma_start3A_303 : memref<50x32xf32, #tpu.memory_space<vmem>>) offsets(%dma_start3A_306 : memref<50xi32, #tpu.memory_space<vmem>>) semaphore(%arg9 : memref<!tpu.dma_semaphore, #tpu.memory_space<semaphore_mem>>)
      %mul3A_310 = arith.constant 16 : i32
      %mul3A_311 = arith.muli %add3A_204, %mul3A_310 : i32
      %add3A_312 = arith.constant 7 : i32
      %add3A_313 = arith.addi %mul3A_311, %add3A_312 : i32
      %dma_start3A_314 = arith.constant 7 : i32
      %dma_start3A_315 = arith.constant 0 : i32
      %dma_start3A_316 = arith.constant 0 : i32
      %dma_start3A_317 = tpu.memref_slice %arg7[%dma_start3A_314, %dma_start3A_315, %dma_start3A_316] : memref<16x50x32xf32, #tpu.memory_space<vmem>> -> memref<1x50x32xf32, #tpu.memory_space<vmem>>
      %dma_start3A_318 = tpu.memref_squeeze %dma_start3A_317 : memref<1x50x32xf32, #tpu.memory_space<vmem>> -> memref<50x32xf32, #tpu.memory_space<vmem>>
      %dma_start3A_319 = arith.constant 0 : i32
      %dma_start3A_320 = tpu.memref_slice %arg5[%add3A_313, %dma_start3A_319] : memref<512x50xi32, #tpu.memory_space<vmem>> -> memref<1x50xi32, #tpu.memory_space<vmem>>
      %dma_start3A_321 = tpu.memref_squeeze %dma_start3A_320 : memref<1x50xi32, #tpu.memory_space<vmem>> -> memref<50xi32, #tpu.memory_space<vmem>>
      %dma_start3A_322 = arith.constant 0 : i32
      %dma_start3A_323 = arith.constant 0 : i32
      %dma_start3A_324 = tpu.memref_slice %arg3[%dma_start3A_322, %dma_start3A_323] : memref<1000000x32xf32, #tpu.memory_space<hbm>> -> memref<1000000x32xf32, #tpu.memory_space<hbm>>
      tpu.enqueue_indirect_dma source(%dma_start3A_324 : memref<1000000x32xf32, #tpu.memory_space<hbm>>) target(%dma_start3A_318 : memref<50x32xf32, #tpu.memory_space<vmem>>) offsets(%dma_start3A_321 : memref<50xi32, #tpu.memory_space<vmem>>) semaphore(%arg9 : memref<!tpu.dma_semaphore, #tpu.memory_space<semaphore_mem>>)
      %mul3A_325 = arith.constant 16 : i32
      %mul3A_326 = arith.muli %add3A_204, %mul3A_325 : i32
      %add3A_327 = arith.constant 8 : i32
      %add3A_328 = arith.addi %mul3A_326, %add3A_327 : i32
      %dma_start3A_329 = arith.constant 8 : i32
      %dma_start3A_330 = arith.constant 0 : i32
      %dma_start3A_331 = arith.constant 0 : i32
      %dma_start3A_332 = tpu.memref_slice %arg7[%dma_start3A_329, %dma_start3A_330, %dma_start3A_331] : memref<16x50x32xf32, #tpu.memory_space<vmem>> -> memref<1x50x32xf32, #tpu.memory_space<vmem>>
      %dma_start3A_333 = tpu.memref_squeeze %dma_start3A_332 : memref<1x50x32xf32, #tpu.memory_space<vmem>> -> memref<50x32xf32, #tpu.memory_space<vmem>>
      %dma_start3A_334 = arith.constant 0 : i32
      %dma_start3A_335 = tpu.memref_slice %arg5[%add3A_328, %dma_start3A_334] : memref<512x50xi32, #tpu.memory_space<vmem>> -> memref<1x50xi32, #tpu.memory_space<vmem>>
      %dma_start3A_336 = tpu.memref_squeeze %dma_start3A_335 : memref<1x50xi32, #tpu.memory_space<vmem>> -> memref<50xi32, #tpu.memory_space<vmem>>
      %dma_start3A_337 = arith.constant 0 : i32
      %dma_start3A_338 = arith.constant 0 : i32
      %dma_start3A_339 = tpu.memref_slice %arg3[%dma_start3A_337, %dma_start3A_338] : memref<1000000x32xf32, #tpu.memory_space<hbm>> -> memref<1000000x32xf32, #tpu.memory_space<hbm>>
      tpu.enqueue_indirect_dma source(%dma_start3A_339 : memref<1000000x32xf32, #tpu.memory_space<hbm>>) target(%dma_start3A_333 : memref<50x32xf32, #tpu.memory_space<vmem>>) offsets(%dma_start3A_336 : memref<50xi32, #tpu.memory_space<vmem>>) semaphore(%arg9 : memref<!tpu.dma_semaphore, #tpu.memory_space<semaphore_mem>>)
      %mul3A_340 = arith.constant 16 : i32
      %mul3A_341 = arith.muli %add3A_204, %mul3A_340 : i32
      %add3A_342 = arith.constant 9 : i32
      %add3A_343 = arith.addi %mul3A_341, %add3A_342 : i32
      %dma_start3A_344 = arith.constant 9 : i32
      %dma_start3A_345 = arith.constant 0 : i32
      %dma_start3A_346 = arith.constant 0 : i32
      %dma_start3A_347 = tpu.memref_slice %arg7[%dma_start3A_344, %dma_start3A_345, %dma_start3A_346] : memref<16x50x32xf32, #tpu.memory_space<vmem>> -> memref<1x50x32xf32, #tpu.memory_space<vmem>>
      %dma_start3A_348 = tpu.memref_squeeze %dma_start3A_347 : memref<1x50x32xf32, #tpu.memory_space<vmem>> -> memref<50x32xf32, #tpu.memory_space<vmem>>
      %dma_start3A_349 = arith.constant 0 : i32
      %dma_start3A_350 = tpu.memref_slice %arg5[%add3A_343, %dma_start3A_349] : memref<512x50xi32, #tpu.memory_space<vmem>> -> memref<1x50xi32, #tpu.memory_space<vmem>>
      %dma_start3A_351 = tpu.memref_squeeze %dma_start3A_350 : memref<1x50xi32, #tpu.memory_space<vmem>> -> memref<50xi32, #tpu.memory_space<vmem>>
      %dma_start3A_352 = arith.constant 0 : i32
      %dma_start3A_353 = arith.constant 0 : i32
      %dma_start3A_354 = tpu.memref_slice %arg3[%dma_start3A_352, %dma_start3A_353] : memref<1000000x32xf32, #tpu.memory_space<hbm>> -> memref<1000000x32xf32, #tpu.memory_space<hbm>>
      tpu.enqueue_indirect_dma source(%dma_start3A_354 : memref<1000000x32xf32, #tpu.memory_space<hbm>>) target(%dma_start3A_348 : memref<50x32xf32, #tpu.memory_space<vmem>>) offsets(%dma_start3A_351 : memref<50xi32, #tpu.memory_space<vmem>>) semaphore(%arg9 : memref<!tpu.dma_semaphore, #tpu.memory_space<semaphore_mem>>)
      %mul3A_355 = arith.constant 16 : i32
      %mul3A_356 = arith.muli %add3A_204, %mul3A_355 : i32
      %add3A_357 = arith.constant 10 : i32
      %add3A_358 = arith.addi %mul3A_356, %add3A_357 : i32
      %dma_start3A_359 = arith.constant 10 : i32
      %dma_start3A_360 = arith.constant 0 : i32
      %dma_start3A_361 = arith.constant 0 : i32
      %dma_start3A_362 = tpu.memref_slice %arg7[%dma_start3A_359, %dma_start3A_360, %dma_start3A_361] : memref<16x50x32xf32, #tpu.memory_space<vmem>> -> memref<1x50x32xf32, #tpu.memory_space<vmem>>
      %dma_start3A_363 = tpu.memref_squeeze %dma_start3A_362 : memref<1x50x32xf32, #tpu.memory_space<vmem>> -> memref<50x32xf32, #tpu.memory_space<vmem>>
      %dma_start3A_364 = arith.constant 0 : i32
      %dma_start3A_365 = tpu.memref_slice %arg5[%add3A_358, %dma_start3A_364] : memref<512x50xi32, #tpu.memory_space<vmem>> -> memref<1x50xi32, #tpu.memory_space<vmem>>
      %dma_start3A_366 = tpu.memref_squeeze %dma_start3A_365 : memref<1x50xi32, #tpu.memory_space<vmem>> -> memref<50xi32, #tpu.memory_space<vmem>>
      %dma_start3A_367 = arith.constant 0 : i32
      %dma_start3A_368 = arith.constant 0 : i32
      %dma_start3A_369 = tpu.memref_slice %arg3[%dma_start3A_367, %dma_start3A_368] : memref<1000000x32xf32, #tpu.memory_space<hbm>> -> memref<1000000x32xf32, #tpu.memory_space<hbm>>
      tpu.enqueue_indirect_dma source(%dma_start3A_369 : memref<1000000x32xf32, #tpu.memory_space<hbm>>) target(%dma_start3A_363 : memref<50x32xf32, #tpu.memory_space<vmem>>) offsets(%dma_start3A_366 : memref<50xi32, #tpu.memory_space<vmem>>) semaphore(%arg9 : memref<!tpu.dma_semaphore, #tpu.memory_space<semaphore_mem>>)
      %mul3A_370 = arith.constant 16 : i32
      %mul3A_371 = arith.muli %add3A_204, %mul3A_370 : i32
      %add3A_372 = arith.constant 11 : i32
      %add3A_373 = arith.addi %mul3A_371, %add3A_372 : i32
      %dma_start3A_374 = arith.constant 11 : i32
      %dma_start3A_375 = arith.constant 0 : i32
      %dma_start3A_376 = arith.constant 0 : i32
      %dma_start3A_377 = tpu.memref_slice %arg7[%dma_start3A_374, %dma_start3A_375, %dma_start3A_376] : memref<16x50x32xf32, #tpu.memory_space<vmem>> -> memref<1x50x32xf32, #tpu.memory_space<vmem>>
      %dma_start3A_378 = tpu.memref_squeeze %dma_start3A_377 : memref<1x50x32xf32, #tpu.memory_space<vmem>> -> memref<50x32xf32, #tpu.memory_space<vmem>>
      %dma_start3A_379 = arith.constant 0 : i32
      %dma_start3A_380 = tpu.memref_slice %arg5[%add3A_373, %dma_start3A_379] : memref<512x50xi32, #tpu.memory_space<vmem>> -> memref<1x50xi32, #tpu.memory_space<vmem>>
      %dma_start3A_381 = tpu.memref_squeeze %dma_start3A_380 : memref<1x50xi32, #tpu.memory_space<vmem>> -> memref<50xi32, #tpu.memory_space<vmem>>
      %dma_start3A_382 = arith.constant 0 : i32
      %dma_start3A_383 = arith.constant 0 : i32
      %dma_start3A_384 = tpu.memref_slice %arg3[%dma_start3A_382, %dma_start3A_383] : memref<1000000x32xf32, #tpu.memory_space<hbm>> -> memref<1000000x32xf32, #tpu.memory_space<hbm>>
      tpu.enqueue_indirect_dma source(%dma_start3A_384 : memref<1000000x32xf32, #tpu.memory_space<hbm>>) target(%dma_start3A_378 : memref<50x32xf32, #tpu.memory_space<vmem>>) offsets(%dma_start3A_381 : memref<50xi32, #tpu.memory_space<vmem>>) semaphore(%arg9 : memref<!tpu.dma_semaphore, #tpu.memory_space<semaphore_mem>>)
      %mul3A_385 = arith.constant 16 : i32
      %mul3A_386 = arith.muli %add3A_204, %mul3A_385 : i32
      %add3A_387 = arith.constant 12 : i32
      %add3A_388 = arith.addi %mul3A_386, %add3A_387 : i32
      %dma_start3A_389 = arith.constant 12 : i32
      %dma_start3A_390 = arith.constant 0 : i32
      %dma_start3A_391 = arith.constant 0 : i32
      %dma_start3A_392 = tpu.memref_slice %arg7[%dma_start3A_389, %dma_start3A_390, %dma_start3A_391] : memref<16x50x32xf32, #tpu.memory_space<vmem>> -> memref<1x50x32xf32, #tpu.memory_space<vmem>>
      %dma_start3A_393 = tpu.memref_squeeze %dma_start3A_392 : memref<1x50x32xf32, #tpu.memory_space<vmem>> -> memref<50x32xf32, #tpu.memory_space<vmem>>
      %dma_start3A_394 = arith.constant 0 : i32
      %dma_start3A_395 = tpu.memref_slice %arg5[%add3A_388, %dma_start3A_394] : memref<512x50xi32, #tpu.memory_space<vmem>> -> memref<1x50xi32, #tpu.memory_space<vmem>>
      %dma_start3A_396 = tpu.memref_squeeze %dma_start3A_395 : memref<1x50xi32, #tpu.memory_space<vmem>> -> memref<50xi32, #tpu.memory_space<vmem>>
      %dma_start3A_397 = arith.constant 0 : i32
      %dma_start3A_398 = arith.constant 0 : i32
      %dma_start3A_399 = tpu.memref_slice %arg3[%dma_start3A_397, %dma_start3A_398] : memref<1000000x32xf32, #tpu.memory_space<hbm>> -> memref<1000000x32xf32, #tpu.memory_space<hbm>>
      tpu.enqueue_indirect_dma source(%dma_start3A_399 : memref<1000000x32xf32, #tpu.memory_space<hbm>>) target(%dma_start3A_393 : memref<50x32xf32, #tpu.memory_space<vmem>>) offsets(%dma_start3A_396 : memref<50xi32, #tpu.memory_space<vmem>>) semaphore(%arg9 : memref<!tpu.dma_semaphore, #tpu.memory_space<semaphore_mem>>)
      %mul3A_400 = arith.constant 16 : i32
      %mul3A_401 = arith.muli %add3A_204, %mul3A_400 : i32
      %add3A_402 = arith.constant 13 : i32
      %add3A_403 = arith.addi %mul3A_401, %add3A_402 : i32
      %dma_start3A_404 = arith.constant 13 : i32
      %dma_start3A_405 = arith.constant 0 : i32
      %dma_start3A_406 = arith.constant 0 : i32
      %dma_start3A_407 = tpu.memref_slice %arg7[%dma_start3A_404, %dma_start3A_405, %dma_start3A_406] : memref<16x50x32xf32, #tpu.memory_space<vmem>> -> memref<1x50x32xf32, #tpu.memory_space<vmem>>
      %dma_start3A_408 = tpu.memref_squeeze %dma_start3A_407 : memref<1x50x32xf32, #tpu.memory_space<vmem>> -> memref<50x32xf32, #tpu.memory_space<vmem>>
      %dma_start3A_409 = arith.constant 0 : i32
      %dma_start3A_410 = tpu.memref_slice %arg5[%add3A_403, %dma_start3A_409] : memref<512x50xi32, #tpu.memory_space<vmem>> -> memref<1x50xi32, #tpu.memory_space<vmem>>
      %dma_start3A_411 = tpu.memref_squeeze %dma_start3A_410 : memref<1x50xi32, #tpu.memory_space<vmem>> -> memref<50xi32, #tpu.memory_space<vmem>>
      %dma_start3A_412 = arith.constant 0 : i32
      %dma_start3A_413 = arith.constant 0 : i32
      %dma_start3A_414 = tpu.memref_slice %arg3[%dma_start3A_412, %dma_start3A_413] : memref<1000000x32xf32, #tpu.memory_space<hbm>> -> memref<1000000x32xf32, #tpu.memory_space<hbm>>
      tpu.enqueue_indirect_dma source(%dma_start3A_414 : memref<1000000x32xf32, #tpu.memory_space<hbm>>) target(%dma_start3A_408 : memref<50x32xf32, #tpu.memory_space<vmem>>) offsets(%dma_start3A_411 : memref<50xi32, #tpu.memory_space<vmem>>) semaphore(%arg9 : memref<!tpu.dma_semaphore, #tpu.memory_space<semaphore_mem>>)
      %mul3A_415 = arith.constant 16 : i32
      %mul3A_416 = arith.muli %add3A_204, %mul3A_415 : i32
      %add3A_417 = arith.constant 14 : i32
      %add3A_418 = arith.addi %mul3A_416, %add3A_417 : i32
      %dma_start3A_419 = arith.constant 14 : i32
      %dma_start3A_420 = arith.constant 0 : i32
      %dma_start3A_421 = arith.constant 0 : i32
      %dma_start3A_422 = tpu.memref_slice %arg7[%dma_start3A_419, %dma_start3A_420, %dma_start3A_421] : memref<16x50x32xf32, #tpu.memory_space<vmem>> -> memref<1x50x32xf32, #tpu.memory_space<vmem>>
      %dma_start3A_423 = tpu.memref_squeeze %dma_start3A_422 : memref<1x50x32xf32, #tpu.memory_space<vmem>> -> memref<50x32xf32, #tpu.memory_space<vmem>>
      %dma_start3A_424 = arith.constant 0 : i32
      %dma_start3A_425 = tpu.memref_slice %arg5[%add3A_418, %dma_start3A_424] : memref<512x50xi32, #tpu.memory_space<vmem>> -> memref<1x50xi32, #tpu.memory_space<vmem>>
      %dma_start3A_426 = tpu.memref_squeeze %dma_start3A_425 : memref<1x50xi32, #tpu.memory_space<vmem>> -> memref<50xi32, #tpu.memory_space<vmem>>
      %dma_start3A_427 = arith.constant 0 : i32
      %dma_start3A_428 = arith.constant 0 : i32
      %dma_start3A_429 = tpu.memref_slice %arg3[%dma_start3A_427, %dma_start3A_428] : memref<1000000x32xf32, #tpu.memory_space<hbm>> -> memref<1000000x32xf32, #tpu.memory_space<hbm>>
      tpu.enqueue_indirect_dma source(%dma_start3A_429 : memref<1000000x32xf32, #tpu.memory_space<hbm>>) target(%dma_start3A_423 : memref<50x32xf32, #tpu.memory_space<vmem>>) offsets(%dma_start3A_426 : memref<50xi32, #tpu.memory_space<vmem>>) semaphore(%arg9 : memref<!tpu.dma_semaphore, #tpu.memory_space<semaphore_mem>>)
      %mul3A_430 = arith.constant 16 : i32
      %mul3A_431 = arith.muli %add3A_204, %mul3A_430 : i32
      %add3A_432 = arith.constant 15 : i32
      %add3A_433 = arith.addi %mul3A_431, %add3A_432 : i32
      %dma_start3A_434 = arith.constant 15 : i32
      %dma_start3A_435 = arith.constant 0 : i32
      %dma_start3A_436 = arith.constant 0 : i32
      %dma_start3A_437 = tpu.memref_slice %arg7[%dma_start3A_434, %dma_start3A_435, %dma_start3A_436] : memref<16x50x32xf32, #tpu.memory_space<vmem>> -> memref<1x50x32xf32, #tpu.memory_space<vmem>>
      %dma_start3A_438 = tpu.memref_squeeze %dma_start3A_437 : memref<1x50x32xf32, #tpu.memory_space<vmem>> -> memref<50x32xf32, #tpu.memory_space<vmem>>
      %dma_start3A_439 = arith.constant 0 : i32
      %dma_start3A_440 = tpu.memref_slice %arg5[%add3A_433, %dma_start3A_439] : memref<512x50xi32, #tpu.memory_space<vmem>> -> memref<1x50xi32, #tpu.memory_space<vmem>>
      %dma_start3A_441 = tpu.memref_squeeze %dma_start3A_440 : memref<1x50xi32, #tpu.memory_space<vmem>> -> memref<50xi32, #tpu.memory_space<vmem>>
      %dma_start3A_442 = arith.constant 0 : i32
      %dma_start3A_443 = arith.constant 0 : i32
      %dma_start3A_444 = tpu.memref_slice %arg3[%dma_start3A_442, %dma_start3A_443] : memref<1000000x32xf32, #tpu.memory_space<hbm>> -> memref<1000000x32xf32, #tpu.memory_space<hbm>>
      tpu.enqueue_indirect_dma source(%dma_start3A_444 : memref<1000000x32xf32, #tpu.memory_space<hbm>>) target(%dma_start3A_438 : memref<50x32xf32, #tpu.memory_space<vmem>>) offsets(%dma_start3A_441 : memref<50xi32, #tpu.memory_space<vmem>>) semaphore(%arg9 : memref<!tpu.dma_semaphore, #tpu.memory_space<semaphore_mem>>)
      %dma_wait3A = arith.constant 0 : i32
      %dma_wait3A_445 = arith.constant 0 : i32
      %dma_wait3A_446 = arith.constant 0 : i32
      %dma_wait3A_447 = tpu.memref_slice %arg4[%dma_wait3A, %dma_wait3A_445, %dma_wait3A_446] : memref<16384x50x32xf32, #tpu.memory_space<hbm>> -> memref<16x50x32xf32, #tpu.memory_space<hbm>>
      %dma_wait3A_448 = arith.constant 0 : i32
      %dma_wait3A_449 = arith.constant 0 : i32
      %dma_wait3A_450 = arith.constant 0 : i32
      %dma_wait3A_451 = tpu.memref_slice %arg4[%dma_wait3A_448, %dma_wait3A_449, %dma_wait3A_450] : memref<16384x50x32xf32, #tpu.memory_space<hbm>> -> memref<16x50x32xf32, #tpu.memory_space<hbm>>
      tpu.wait_dma2 semaphore(%arg8 : memref<!tpu.dma_semaphore, #tpu.memory_space<semaphore_mem>>) src(%dma_wait3A_451 : memref<16x50x32xf32, #tpu.memory_space<hbm>>) dst(%arg6 : memref<16x50x32xf32, #tpu.memory_space<vmem>>)
      %mul3A_452 = arith.constant 16 : i32
      %mul3A_453 = arith.muli %add3A_202, %mul3A_452 : i32
      %add3A_454 = arith.addi %mul3A_2, %mul3A_453 : i32
      %dma_start3A_455 = arith.constant 0 : i32
      %dma_start3A_456 = arith.constant 0 : i32
      %dma_start3A_457 = tpu.memref_slice %arg4[%add3A_454, %dma_start3A_455, %dma_start3A_456] : memref<16384x50x32xf32, #tpu.memory_space<hbm>> -> memref<16x50x32xf32, #tpu.memory_space<hbm>>
      %dma_start3A_458 = arith.constant 0 : i32
      %dma_start3A_459 = arith.constant 0 : i32
      %dma_start3A_460 = tpu.memref_slice %arg4[%add3A_454, %dma_start3A_458, %dma_start3A_459] : memref<16384x50x32xf32, #tpu.memory_space<hbm>> -> memref<16x50x32xf32, #tpu.memory_space<hbm>>
      tpu.enqueue_dma source(%arg6 : memref<16x50x32xf32, #tpu.memory_space<vmem>>) target(%dma_start3A_460 : memref<16x50x32xf32, #tpu.memory_space<hbm>>) target_semaphore(%arg10 : memref<!tpu.dma_semaphore, #tpu.memory_space<semaphore_mem>>)
      %dma_wait3A_461 = arith.constant 0 : i32
      %dma_wait3A_462 = arith.constant 0 : i32
      %dma_wait3A_463 = tpu.memref_slice %arg4[%add3A_454, %dma_wait3A_461, %dma_wait3A_462] : memref<16384x50x32xf32, #tpu.memory_space<hbm>> -> memref<16x50x32xf32, #tpu.memory_space<hbm>>
      %dma_wait3A_464 = arith.constant 0 : i32
      %dma_wait3A_465 = arith.constant 0 : i32
      %dma_wait3A_466 = tpu.memref_slice %arg4[%add3A_454, %dma_wait3A_464, %dma_wait3A_465] : memref<16384x50x32xf32, #tpu.memory_space<hbm>> -> memref<16x50x32xf32, #tpu.memory_space<hbm>>
      tpu.wait_dma2 semaphore(%arg10 : memref<!tpu.dma_semaphore, #tpu.memory_space<semaphore_mem>>) src(%arg6 : memref<16x50x32xf32, #tpu.memory_space<vmem>>) dst(%dma_wait3A_466 : memref<16x50x32xf32, #tpu.memory_space<hbm>>)
      %add3A_467 = arith.constant 2 : i32
      %add3A_468 = arith.addi %add3A_202, %add3A_467 : i32
      %lt3A = arith.constant 32 : i32
      %lt3A_469 = arith.cmpi slt, %add3A_468, %lt3A : i32
      %convert_element_type3A = arith.extui %lt3A_469 : i1 to i32
      %cond3A = arith.constant 0 : i32
      %cond3A_470 = arith.cmpi ne, %convert_element_type3A, %cond3A : i32
      scf.if %cond3A_470 {
        %add3A_496 = arith.constant 2 : i32
        %add3A_497 = arith.addi %add3A_202, %add3A_496 : i32
        %mul3A_498 = arith.constant 16 : i32
        %mul3A_499 = arith.muli %add3A_497, %mul3A_498 : i32
        %add3A_500 = arith.constant 0 : i32
        %add3A_501 = arith.addi %mul3A_499, %add3A_500 : i32
        %dma_start3A_502 = arith.constant 0 : i32
        %dma_start3A_503 = arith.constant 0 : i32
        %dma_start3A_504 = arith.constant 0 : i32
        %dma_start3A_505 = tpu.memref_slice %arg6[%dma_start3A_502, %dma_start3A_503, %dma_start3A_504] : memref<16x50x32xf32, #tpu.memory_space<vmem>> -> memref<1x50x32xf32, #tpu.memory_space<vmem>>
        %dma_start3A_506 = tpu.memref_squeeze %dma_start3A_505 : memref<1x50x32xf32, #tpu.memory_space<vmem>> -> memref<50x32xf32, #tpu.memory_space<vmem>>
        %dma_start3A_507 = arith.constant 0 : i32
        %dma_start3A_508 = tpu.memref_slice %arg5[%add3A_501, %dma_start3A_507] : memref<512x50xi32, #tpu.memory_space<vmem>> -> memref<1x50xi32, #tpu.memory_space<vmem>>
        %dma_start3A_509 = tpu.memref_squeeze %dma_start3A_508 : memref<1x50xi32, #tpu.memory_space<vmem>> -> memref<50xi32, #tpu.memory_space<vmem>>
        %dma_start3A_510 = arith.constant 0 : i32
        %dma_start3A_511 = arith.constant 0 : i32
        %dma_start3A_512 = tpu.memref_slice %arg3[%dma_start3A_510, %dma_start3A_511] : memref<1000000x32xf32, #tpu.memory_space<hbm>> -> memref<1000000x32xf32, #tpu.memory_space<hbm>>
        tpu.enqueue_indirect_dma source(%dma_start3A_512 : memref<1000000x32xf32, #tpu.memory_space<hbm>>) target(%dma_start3A_506 : memref<50x32xf32, #tpu.memory_space<vmem>>) offsets(%dma_start3A_509 : memref<50xi32, #tpu.memory_space<vmem>>) semaphore(%arg8 : memref<!tpu.dma_semaphore, #tpu.memory_space<semaphore_mem>>)
        %mul3A_513 = arith.constant 16 : i32
        %mul3A_514 = arith.muli %add3A_497, %mul3A_513 : i32
        %add3A_515 = arith.constant 1 : i32
        %add3A_516 = arith.addi %mul3A_514, %add3A_515 : i32
        %dma_start3A_517 = arith.constant 1 : i32
        %dma_start3A_518 = arith.constant 0 : i32
        %dma_start3A_519 = arith.constant 0 : i32
        %dma_start3A_520 = tpu.memref_slice %arg6[%dma_start3A_517, %dma_start3A_518, %dma_start3A_519] : memref<16x50x32xf32, #tpu.memory_space<vmem>> -> memref<1x50x32xf32, #tpu.memory_space<vmem>>
        %dma_start3A_521 = tpu.memref_squeeze %dma_start3A_520 : memref<1x50x32xf32, #tpu.memory_space<vmem>> -> memref<50x32xf32, #tpu.memory_space<vmem>>
        %dma_start3A_522 = arith.constant 0 : i32
        %dma_start3A_523 = tpu.memref_slice %arg5[%add3A_516, %dma_start3A_522] : memref<512x50xi32, #tpu.memory_space<vmem>> -> memref<1x50xi32, #tpu.memory_space<vmem>>
        %dma_start3A_524 = tpu.memref_squeeze %dma_start3A_523 : memref<1x50xi32, #tpu.memory_space<vmem>> -> memref<50xi32, #tpu.memory_space<vmem>>
        %dma_start3A_525 = arith.constant 0 : i32
        %dma_start3A_526 = arith.constant 0 : i32
        %dma_start3A_527 = tpu.memref_slice %arg3[%dma_start3A_525, %dma_start3A_526] : memref<1000000x32xf32, #tpu.memory_space<hbm>> -> memref<1000000x32xf32, #tpu.memory_space<hbm>>
        tpu.enqueue_indirect_dma source(%dma_start3A_527 : memref<1000000x32xf32, #tpu.memory_space<hbm>>) target(%dma_start3A_521 : memref<50x32xf32, #tpu.memory_space<vmem>>) offsets(%dma_start3A_524 : memref<50xi32, #tpu.memory_space<vmem>>) semaphore(%arg8 : memref<!tpu.dma_semaphore, #tpu.memory_space<semaphore_mem>>)
        %mul3A_528 = arith.constant 16 : i32
        %mul3A_529 = arith.muli %add3A_497, %mul3A_528 : i32
        %add3A_530 = arith.constant 2 : i32
        %add3A_531 = arith.addi %mul3A_529, %add3A_530 : i32
        %dma_start3A_532 = arith.constant 2 : i32
        %dma_start3A_533 = arith.constant 0 : i32
        %dma_start3A_534 = arith.constant 0 : i32
        %dma_start3A_535 = tpu.memref_slice %arg6[%dma_start3A_532, %dma_start3A_533, %dma_start3A_534] : memref<16x50x32xf32, #tpu.memory_space<vmem>> -> memref<1x50x32xf32, #tpu.memory_space<vmem>>
        %dma_start3A_536 = tpu.memref_squeeze %dma_start3A_535 : memref<1x50x32xf32, #tpu.memory_space<vmem>> -> memref<50x32xf32, #tpu.memory_space<vmem>>
        %dma_start3A_537 = arith.constant 0 : i32
        %dma_start3A_538 = tpu.memref_slice %arg5[%add3A_531, %dma_start3A_537] : memref<512x50xi32, #tpu.memory_space<vmem>> -> memref<1x50xi32, #tpu.memory_space<vmem>>
        %dma_start3A_539 = tpu.memref_squeeze %dma_start3A_538 : memref<1x50xi32, #tpu.memory_space<vmem>> -> memref<50xi32, #tpu.memory_space<vmem>>
        %dma_start3A_540 = arith.constant 0 : i32
        %dma_start3A_541 = arith.constant 0 : i32
        %dma_start3A_542 = tpu.memref_slice %arg3[%dma_start3A_540, %dma_start3A_541] : memref<1000000x32xf32, #tpu.memory_space<hbm>> -> memref<1000000x32xf32, #tpu.memory_space<hbm>>
        tpu.enqueue_indirect_dma source(%dma_start3A_542 : memref<1000000x32xf32, #tpu.memory_space<hbm>>) target(%dma_start3A_536 : memref<50x32xf32, #tpu.memory_space<vmem>>) offsets(%dma_start3A_539 : memref<50xi32, #tpu.memory_space<vmem>>) semaphore(%arg8 : memref<!tpu.dma_semaphore, #tpu.memory_space<semaphore_mem>>)
        %mul3A_543 = arith.constant 16 : i32
        %mul3A_544 = arith.muli %add3A_497, %mul3A_543 : i32
        %add3A_545 = arith.constant 3 : i32
        %add3A_546 = arith.addi %mul3A_544, %add3A_545 : i32
        %dma_start3A_547 = arith.constant 3 : i32
        %dma_start3A_548 = arith.constant 0 : i32
        %dma_start3A_549 = arith.constant 0 : i32
        %dma_start3A_550 = tpu.memref_slice %arg6[%dma_start3A_547, %dma_start3A_548, %dma_start3A_549] : memref<16x50x32xf32, #tpu.memory_space<vmem>> -> memref<1x50x32xf32, #tpu.memory_space<vmem>>
        %dma_start3A_551 = tpu.memref_squeeze %dma_start3A_550 : memref<1x50x32xf32, #tpu.memory_space<vmem>> -> memref<50x32xf32, #tpu.memory_space<vmem>>
        %dma_start3A_552 = arith.constant 0 : i32
        %dma_start3A_553 = tpu.memref_slice %arg5[%add3A_546, %dma_start3A_552] : memref<512x50xi32, #tpu.memory_space<vmem>> -> memref<1x50xi32, #tpu.memory_space<vmem>>
        %dma_start3A_554 = tpu.memref_squeeze %dma_start3A_553 : memref<1x50xi32, #tpu.memory_space<vmem>> -> memref<50xi32, #tpu.memory_space<vmem>>
        %dma_start3A_555 = arith.constant 0 : i32
        %dma_start3A_556 = arith.constant 0 : i32
        %dma_start3A_557 = tpu.memref_slice %arg3[%dma_start3A_555, %dma_start3A_556] : memref<1000000x32xf32, #tpu.memory_space<hbm>> -> memref<1000000x32xf32, #tpu.memory_space<hbm>>
        tpu.enqueue_indirect_dma source(%dma_start3A_557 : memref<1000000x32xf32, #tpu.memory_space<hbm>>) target(%dma_start3A_551 : memref<50x32xf32, #tpu.memory_space<vmem>>) offsets(%dma_start3A_554 : memref<50xi32, #tpu.memory_space<vmem>>) semaphore(%arg8 : memref<!tpu.dma_semaphore, #tpu.memory_space<semaphore_mem>>)
        %mul3A_558 = arith.constant 16 : i32
        %mul3A_559 = arith.muli %add3A_497, %mul3A_558 : i32
        %add3A_560 = arith.constant 4 : i32
        %add3A_561 = arith.addi %mul3A_559, %add3A_560 : i32
        %dma_start3A_562 = arith.constant 4 : i32
        %dma_start3A_563 = arith.constant 0 : i32
        %dma_start3A_564 = arith.constant 0 : i32
        %dma_start3A_565 = tpu.memref_slice %arg6[%dma_start3A_562, %dma_start3A_563, %dma_start3A_564] : memref<16x50x32xf32, #tpu.memory_space<vmem>> -> memref<1x50x32xf32, #tpu.memory_space<vmem>>
        %dma_start3A_566 = tpu.memref_squeeze %dma_start3A_565 : memref<1x50x32xf32, #tpu.memory_space<vmem>> -> memref<50x32xf32, #tpu.memory_space<vmem>>
        %dma_start3A_567 = arith.constant 0 : i32
        %dma_start3A_568 = tpu.memref_slice %arg5[%add3A_561, %dma_start3A_567] : memref<512x50xi32, #tpu.memory_space<vmem>> -> memref<1x50xi32, #tpu.memory_space<vmem>>
        %dma_start3A_569 = tpu.memref_squeeze %dma_start3A_568 : memref<1x50xi32, #tpu.memory_space<vmem>> -> memref<50xi32, #tpu.memory_space<vmem>>
        %dma_start3A_570 = arith.constant 0 : i32
        %dma_start3A_571 = arith.constant 0 : i32
        %dma_start3A_572 = tpu.memref_slice %arg3[%dma_start3A_570, %dma_start3A_571] : memref<1000000x32xf32, #tpu.memory_space<hbm>> -> memref<1000000x32xf32, #tpu.memory_space<hbm>>
        tpu.enqueue_indirect_dma source(%dma_start3A_572 : memref<1000000x32xf32, #tpu.memory_space<hbm>>) target(%dma_start3A_566 : memref<50x32xf32, #tpu.memory_space<vmem>>) offsets(%dma_start3A_569 : memref<50xi32, #tpu.memory_space<vmem>>) semaphore(%arg8 : memref<!tpu.dma_semaphore, #tpu.memory_space<semaphore_mem>>)
        %mul3A_573 = arith.constant 16 : i32
        %mul3A_574 = arith.muli %add3A_497, %mul3A_573 : i32
        %add3A_575 = arith.constant 5 : i32
        %add3A_576 = arith.addi %mul3A_574, %add3A_575 : i32
        %dma_start3A_577 = arith.constant 5 : i32
        %dma_start3A_578 = arith.constant 0 : i32
        %dma_start3A_579 = arith.constant 0 : i32
        %dma_start3A_580 = tpu.memref_slice %arg6[%dma_start3A_577, %dma_start3A_578, %dma_start3A_579] : memref<16x50x32xf32, #tpu.memory_space<vmem>> -> memref<1x50x32xf32, #tpu.memory_space<vmem>>
        %dma_start3A_581 = tpu.memref_squeeze %dma_start3A_580 : memref<1x50x32xf32, #tpu.memory_space<vmem>> -> memref<50x32xf32, #tpu.memory_space<vmem>>
        %dma_start3A_582 = arith.constant 0 : i32
        %dma_start3A_583 = tpu.memref_slice %arg5[%add3A_576, %dma_start3A_582] : memref<512x50xi32, #tpu.memory_space<vmem>> -> memref<1x50xi32, #tpu.memory_space<vmem>>
        %dma_start3A_584 = tpu.memref_squeeze %dma_start3A_583 : memref<1x50xi32, #tpu.memory_space<vmem>> -> memref<50xi32, #tpu.memory_space<vmem>>
        %dma_start3A_585 = arith.constant 0 : i32
        %dma_start3A_586 = arith.constant 0 : i32
        %dma_start3A_587 = tpu.memref_slice %arg3[%dma_start3A_585, %dma_start3A_586] : memref<1000000x32xf32, #tpu.memory_space<hbm>> -> memref<1000000x32xf32, #tpu.memory_space<hbm>>
        tpu.enqueue_indirect_dma source(%dma_start3A_587 : memref<1000000x32xf32, #tpu.memory_space<hbm>>) target(%dma_start3A_581 : memref<50x32xf32, #tpu.memory_space<vmem>>) offsets(%dma_start3A_584 : memref<50xi32, #tpu.memory_space<vmem>>) semaphore(%arg8 : memref<!tpu.dma_semaphore, #tpu.memory_space<semaphore_mem>>)
        %mul3A_588 = arith.constant 16 : i32
        %mul3A_589 = arith.muli %add3A_497, %mul3A_588 : i32
        %add3A_590 = arith.constant 6 : i32
        %add3A_591 = arith.addi %mul3A_589, %add3A_590 : i32
        %dma_start3A_592 = arith.constant 6 : i32
        %dma_start3A_593 = arith.constant 0 : i32
        %dma_start3A_594 = arith.constant 0 : i32
        %dma_start3A_595 = tpu.memref_slice %arg6[%dma_start3A_592, %dma_start3A_593, %dma_start3A_594] : memref<16x50x32xf32, #tpu.memory_space<vmem>> -> memref<1x50x32xf32, #tpu.memory_space<vmem>>
        %dma_start3A_596 = tpu.memref_squeeze %dma_start3A_595 : memref<1x50x32xf32, #tpu.memory_space<vmem>> -> memref<50x32xf32, #tpu.memory_space<vmem>>
        %dma_start3A_597 = arith.constant 0 : i32
        %dma_start3A_598 = tpu.memref_slice %arg5[%add3A_591, %dma_start3A_597] : memref<512x50xi32, #tpu.memory_space<vmem>> -> memref<1x50xi32, #tpu.memory_space<vmem>>
        %dma_start3A_599 = tpu.memref_squeeze %dma_start3A_598 : memref<1x50xi32, #tpu.memory_space<vmem>> -> memref<50xi32, #tpu.memory_space<vmem>>
        %dma_start3A_600 = arith.constant 0 : i32
        %dma_start3A_601 = arith.constant 0 : i32
        %dma_start3A_602 = tpu.memref_slice %arg3[%dma_start3A_600, %dma_start3A_601] : memref<1000000x32xf32, #tpu.memory_space<hbm>> -> memref<1000000x32xf32, #tpu.memory_space<hbm>>
        tpu.enqueue_indirect_dma source(%dma_start3A_602 : memref<1000000x32xf32, #tpu.memory_space<hbm>>) target(%dma_start3A_596 : memref<50x32xf32, #tpu.memory_space<vmem>>) offsets(%dma_start3A_599 : memref<50xi32, #tpu.memory_space<vmem>>) semaphore(%arg8 : memref<!tpu.dma_semaphore, #tpu.memory_space<semaphore_mem>>)
        %mul3A_603 = arith.constant 16 : i32
        %mul3A_604 = arith.muli %add3A_497, %mul3A_603 : i32
        %add3A_605 = arith.constant 7 : i32
        %add3A_606 = arith.addi %mul3A_604, %add3A_605 : i32
        %dma_start3A_607 = arith.constant 7 : i32
        %dma_start3A_608 = arith.constant 0 : i32
        %dma_start3A_609 = arith.constant 0 : i32
        %dma_start3A_610 = tpu.memref_slice %arg6[%dma_start3A_607, %dma_start3A_608, %dma_start3A_609] : memref<16x50x32xf32, #tpu.memory_space<vmem>> -> memref<1x50x32xf32, #tpu.memory_space<vmem>>
        %dma_start3A_611 = tpu.memref_squeeze %dma_start3A_610 : memref<1x50x32xf32, #tpu.memory_space<vmem>> -> memref<50x32xf32, #tpu.memory_space<vmem>>
        %dma_start3A_612 = arith.constant 0 : i32
        %dma_start3A_613 = tpu.memref_slice %arg5[%add3A_606, %dma_start3A_612] : memref<512x50xi32, #tpu.memory_space<vmem>> -> memref<1x50xi32, #tpu.memory_space<vmem>>
        %dma_start3A_614 = tpu.memref_squeeze %dma_start3A_613 : memref<1x50xi32, #tpu.memory_space<vmem>> -> memref<50xi32, #tpu.memory_space<vmem>>
        %dma_start3A_615 = arith.constant 0 : i32
        %dma_start3A_616 = arith.constant 0 : i32
        %dma_start3A_617 = tpu.memref_slice %arg3[%dma_start3A_615, %dma_start3A_616] : memref<1000000x32xf32, #tpu.memory_space<hbm>> -> memref<1000000x32xf32, #tpu.memory_space<hbm>>
        tpu.enqueue_indirect_dma source(%dma_start3A_617 : memref<1000000x32xf32, #tpu.memory_space<hbm>>) target(%dma_start3A_611 : memref<50x32xf32, #tpu.memory_space<vmem>>) offsets(%dma_start3A_614 : memref<50xi32, #tpu.memory_space<vmem>>) semaphore(%arg8 : memref<!tpu.dma_semaphore, #tpu.memory_space<semaphore_mem>>)
        %mul3A_618 = arith.constant 16 : i32
        %mul3A_619 = arith.muli %add3A_497, %mul3A_618 : i32
        %add3A_620 = arith.constant 8 : i32
        %add3A_621 = arith.addi %mul3A_619, %add3A_620 : i32
        %dma_start3A_622 = arith.constant 8 : i32
        %dma_start3A_623 = arith.constant 0 : i32
        %dma_start3A_624 = arith.constant 0 : i32
        %dma_start3A_625 = tpu.memref_slice %arg6[%dma_start3A_622, %dma_start3A_623, %dma_start3A_624] : memref<16x50x32xf32, #tpu.memory_space<vmem>> -> memref<1x50x32xf32, #tpu.memory_space<vmem>>
        %dma_start3A_626 = tpu.memref_squeeze %dma_start3A_625 : memref<1x50x32xf32, #tpu.memory_space<vmem>> -> memref<50x32xf32, #tpu.memory_space<vmem>>
        %dma_start3A_627 = arith.constant 0 : i32
        %dma_start3A_628 = tpu.memref_slice %arg5[%add3A_621, %dma_start3A_627] : memref<512x50xi32, #tpu.memory_space<vmem>> -> memref<1x50xi32, #tpu.memory_space<vmem>>
        %dma_start3A_629 = tpu.memref_squeeze %dma_start3A_628 : memref<1x50xi32, #tpu.memory_space<vmem>> -> memref<50xi32, #tpu.memory_space<vmem>>
        %dma_start3A_630 = arith.constant 0 : i32
        %dma_start3A_631 = arith.constant 0 : i32
        %dma_start3A_632 = tpu.memref_slice %arg3[%dma_start3A_630, %dma_start3A_631] : memref<1000000x32xf32, #tpu.memory_space<hbm>> -> memref<1000000x32xf32, #tpu.memory_space<hbm>>
        tpu.enqueue_indirect_dma source(%dma_start3A_632 : memref<1000000x32xf32, #tpu.memory_space<hbm>>) target(%dma_start3A_626 : memref<50x32xf32, #tpu.memory_space<vmem>>) offsets(%dma_start3A_629 : memref<50xi32, #tpu.memory_space<vmem>>) semaphore(%arg8 : memref<!tpu.dma_semaphore, #tpu.memory_space<semaphore_mem>>)
        %mul3A_633 = arith.constant 16 : i32
        %mul3A_634 = arith.muli %add3A_497, %mul3A_633 : i32
        %add3A_635 = arith.constant 9 : i32
        %add3A_636 = arith.addi %mul3A_634, %add3A_635 : i32
        %dma_start3A_637 = arith.constant 9 : i32
        %dma_start3A_638 = arith.constant 0 : i32
        %dma_start3A_639 = arith.constant 0 : i32
        %dma_start3A_640 = tpu.memref_slice %arg6[%dma_start3A_637, %dma_start3A_638, %dma_start3A_639] : memref<16x50x32xf32, #tpu.memory_space<vmem>> -> memref<1x50x32xf32, #tpu.memory_space<vmem>>
        %dma_start3A_641 = tpu.memref_squeeze %dma_start3A_640 : memref<1x50x32xf32, #tpu.memory_space<vmem>> -> memref<50x32xf32, #tpu.memory_space<vmem>>
        %dma_start3A_642 = arith.constant 0 : i32
        %dma_start3A_643 = tpu.memref_slice %arg5[%add3A_636, %dma_start3A_642] : memref<512x50xi32, #tpu.memory_space<vmem>> -> memref<1x50xi32, #tpu.memory_space<vmem>>
        %dma_start3A_644 = tpu.memref_squeeze %dma_start3A_643 : memref<1x50xi32, #tpu.memory_space<vmem>> -> memref<50xi32, #tpu.memory_space<vmem>>
        %dma_start3A_645 = arith.constant 0 : i32
        %dma_start3A_646 = arith.constant 0 : i32
        %dma_start3A_647 = tpu.memref_slice %arg3[%dma_start3A_645, %dma_start3A_646] : memref<1000000x32xf32, #tpu.memory_space<hbm>> -> memref<1000000x32xf32, #tpu.memory_space<hbm>>
        tpu.enqueue_indirect_dma source(%dma_start3A_647 : memref<1000000x32xf32, #tpu.memory_space<hbm>>) target(%dma_start3A_641 : memref<50x32xf32, #tpu.memory_space<vmem>>) offsets(%dma_start3A_644 : memref<50xi32, #tpu.memory_space<vmem>>) semaphore(%arg8 : memref<!tpu.dma_semaphore, #tpu.memory_space<semaphore_mem>>)
        %mul3A_648 = arith.constant 16 : i32
        %mul3A_649 = arith.muli %add3A_497, %mul3A_648 : i32
        %add3A_650 = arith.constant 10 : i32
        %add3A_651 = arith.addi %mul3A_649, %add3A_650 : i32
        %dma_start3A_652 = arith.constant 10 : i32
        %dma_start3A_653 = arith.constant 0 : i32
        %dma_start3A_654 = arith.constant 0 : i32
        %dma_start3A_655 = tpu.memref_slice %arg6[%dma_start3A_652, %dma_start3A_653, %dma_start3A_654] : memref<16x50x32xf32, #tpu.memory_space<vmem>> -> memref<1x50x32xf32, #tpu.memory_space<vmem>>
        %dma_start3A_656 = tpu.memref_squeeze %dma_start3A_655 : memref<1x50x32xf32, #tpu.memory_space<vmem>> -> memref<50x32xf32, #tpu.memory_space<vmem>>
        %dma_start3A_657 = arith.constant 0 : i32
        %dma_start3A_658 = tpu.memref_slice %arg5[%add3A_651, %dma_start3A_657] : memref<512x50xi32, #tpu.memory_space<vmem>> -> memref<1x50xi32, #tpu.memory_space<vmem>>
        %dma_start3A_659 = tpu.memref_squeeze %dma_start3A_658 : memref<1x50xi32, #tpu.memory_space<vmem>> -> memref<50xi32, #tpu.memory_space<vmem>>
        %dma_start3A_660 = arith.constant 0 : i32
        %dma_start3A_661 = arith.constant 0 : i32
        %dma_start3A_662 = tpu.memref_slice %arg3[%dma_start3A_660, %dma_start3A_661] : memref<1000000x32xf32, #tpu.memory_space<hbm>> -> memref<1000000x32xf32, #tpu.memory_space<hbm>>
        tpu.enqueue_indirect_dma source(%dma_start3A_662 : memref<1000000x32xf32, #tpu.memory_space<hbm>>) target(%dma_start3A_656 : memref<50x32xf32, #tpu.memory_space<vmem>>) offsets(%dma_start3A_659 : memref<50xi32, #tpu.memory_space<vmem>>) semaphore(%arg8 : memref<!tpu.dma_semaphore, #tpu.memory_space<semaphore_mem>>)
        %mul3A_663 = arith.constant 16 : i32
        %mul3A_664 = arith.muli %add3A_497, %mul3A_663 : i32
        %add3A_665 = arith.constant 11 : i32
        %add3A_666 = arith.addi %mul3A_664, %add3A_665 : i32
        %dma_start3A_667 = arith.constant 11 : i32
        %dma_start3A_668 = arith.constant 0 : i32
        %dma_start3A_669 = arith.constant 0 : i32
        %dma_start3A_670 = tpu.memref_slice %arg6[%dma_start3A_667, %dma_start3A_668, %dma_start3A_669] : memref<16x50x32xf32, #tpu.memory_space<vmem>> -> memref<1x50x32xf32, #tpu.memory_space<vmem>>
        %dma_start3A_671 = tpu.memref_squeeze %dma_start3A_670 : memref<1x50x32xf32, #tpu.memory_space<vmem>> -> memref<50x32xf32, #tpu.memory_space<vmem>>
        %dma_start3A_672 = arith.constant 0 : i32
        %dma_start3A_673 = tpu.memref_slice %arg5[%add3A_666, %dma_start3A_672] : memref<512x50xi32, #tpu.memory_space<vmem>> -> memref<1x50xi32, #tpu.memory_space<vmem>>
        %dma_start3A_674 = tpu.memref_squeeze %dma_start3A_673 : memref<1x50xi32, #tpu.memory_space<vmem>> -> memref<50xi32, #tpu.memory_space<vmem>>
        %dma_start3A_675 = arith.constant 0 : i32
        %dma_start3A_676 = arith.constant 0 : i32
        %dma_start3A_677 = tpu.memref_slice %arg3[%dma_start3A_675, %dma_start3A_676] : memref<1000000x32xf32, #tpu.memory_space<hbm>> -> memref<1000000x32xf32, #tpu.memory_space<hbm>>
        tpu.enqueue_indirect_dma source(%dma_start3A_677 : memref<1000000x32xf32, #tpu.memory_space<hbm>>) target(%dma_start3A_671 : memref<50x32xf32, #tpu.memory_space<vmem>>) offsets(%dma_start3A_674 : memref<50xi32, #tpu.memory_space<vmem>>) semaphore(%arg8 : memref<!tpu.dma_semaphore, #tpu.memory_space<semaphore_mem>>)
        %mul3A_678 = arith.constant 16 : i32
        %mul3A_679 = arith.muli %add3A_497, %mul3A_678 : i32
        %add3A_680 = arith.constant 12 : i32
        %add3A_681 = arith.addi %mul3A_679, %add3A_680 : i32
        %dma_start3A_682 = arith.constant 12 : i32
        %dma_start3A_683 = arith.constant 0 : i32
        %dma_start3A_684 = arith.constant 0 : i32
        %dma_start3A_685 = tpu.memref_slice %arg6[%dma_start3A_682, %dma_start3A_683, %dma_start3A_684] : memref<16x50x32xf32, #tpu.memory_space<vmem>> -> memref<1x50x32xf32, #tpu.memory_space<vmem>>
        %dma_start3A_686 = tpu.memref_squeeze %dma_start3A_685 : memref<1x50x32xf32, #tpu.memory_space<vmem>> -> memref<50x32xf32, #tpu.memory_space<vmem>>
        %dma_start3A_687 = arith.constant 0 : i32
        %dma_start3A_688 = tpu.memref_slice %arg5[%add3A_681, %dma_start3A_687] : memref<512x50xi32, #tpu.memory_space<vmem>> -> memref<1x50xi32, #tpu.memory_space<vmem>>
        %dma_start3A_689 = tpu.memref_squeeze %dma_start3A_688 : memref<1x50xi32, #tpu.memory_space<vmem>> -> memref<50xi32, #tpu.memory_space<vmem>>
        %dma_start3A_690 = arith.constant 0 : i32
        %dma_start3A_691 = arith.constant 0 : i32
        %dma_start3A_692 = tpu.memref_slice %arg3[%dma_start3A_690, %dma_start3A_691] : memref<1000000x32xf32, #tpu.memory_space<hbm>> -> memref<1000000x32xf32, #tpu.memory_space<hbm>>
        tpu.enqueue_indirect_dma source(%dma_start3A_692 : memref<1000000x32xf32, #tpu.memory_space<hbm>>) target(%dma_start3A_686 : memref<50x32xf32, #tpu.memory_space<vmem>>) offsets(%dma_start3A_689 : memref<50xi32, #tpu.memory_space<vmem>>) semaphore(%arg8 : memref<!tpu.dma_semaphore, #tpu.memory_space<semaphore_mem>>)
        %mul3A_693 = arith.constant 16 : i32
        %mul3A_694 = arith.muli %add3A_497, %mul3A_693 : i32
        %add3A_695 = arith.constant 13 : i32
        %add3A_696 = arith.addi %mul3A_694, %add3A_695 : i32
        %dma_start3A_697 = arith.constant 13 : i32
        %dma_start3A_698 = arith.constant 0 : i32
        %dma_start3A_699 = arith.constant 0 : i32
        %dma_start3A_700 = tpu.memref_slice %arg6[%dma_start3A_697, %dma_start3A_698, %dma_start3A_699] : memref<16x50x32xf32, #tpu.memory_space<vmem>> -> memref<1x50x32xf32, #tpu.memory_space<vmem>>
        %dma_start3A_701 = tpu.memref_squeeze %dma_start3A_700 : memref<1x50x32xf32, #tpu.memory_space<vmem>> -> memref<50x32xf32, #tpu.memory_space<vmem>>
        %dma_start3A_702 = arith.constant 0 : i32
        %dma_start3A_703 = tpu.memref_slice %arg5[%add3A_696, %dma_start3A_702] : memref<512x50xi32, #tpu.memory_space<vmem>> -> memref<1x50xi32, #tpu.memory_space<vmem>>
        %dma_start3A_704 = tpu.memref_squeeze %dma_start3A_703 : memref<1x50xi32, #tpu.memory_space<vmem>> -> memref<50xi32, #tpu.memory_space<vmem>>
        %dma_start3A_705 = arith.constant 0 : i32
        %dma_start3A_706 = arith.constant 0 : i32
        %dma_start3A_707 = tpu.memref_slice %arg3[%dma_start3A_705, %dma_start3A_706] : memref<1000000x32xf32, #tpu.memory_space<hbm>> -> memref<1000000x32xf32, #tpu.memory_space<hbm>>
        tpu.enqueue_indirect_dma source(%dma_start3A_707 : memref<1000000x32xf32, #tpu.memory_space<hbm>>) target(%dma_start3A_701 : memref<50x32xf32, #tpu.memory_space<vmem>>) offsets(%dma_start3A_704 : memref<50xi32, #tpu.memory_space<vmem>>) semaphore(%arg8 : memref<!tpu.dma_semaphore, #tpu.memory_space<semaphore_mem>>)
        %mul3A_708 = arith.constant 16 : i32
        %mul3A_709 = arith.muli %add3A_497, %mul3A_708 : i32
        %add3A_710 = arith.constant 14 : i32
        %add3A_711 = arith.addi %mul3A_709, %add3A_710 : i32
        %dma_start3A_712 = arith.constant 14 : i32
        %dma_start3A_713 = arith.constant 0 : i32
        %dma_start3A_714 = arith.constant 0 : i32
        %dma_start3A_715 = tpu.memref_slice %arg6[%dma_start3A_712, %dma_start3A_713, %dma_start3A_714] : memref<16x50x32xf32, #tpu.memory_space<vmem>> -> memref<1x50x32xf32, #tpu.memory_space<vmem>>
        %dma_start3A_716 = tpu.memref_squeeze %dma_start3A_715 : memref<1x50x32xf32, #tpu.memory_space<vmem>> -> memref<50x32xf32, #tpu.memory_space<vmem>>
        %dma_start3A_717 = arith.constant 0 : i32
        %dma_start3A_718 = tpu.memref_slice %arg5[%add3A_711, %dma_start3A_717] : memref<512x50xi32, #tpu.memory_space<vmem>> -> memref<1x50xi32, #tpu.memory_space<vmem>>
        %dma_start3A_719 = tpu.memref_squeeze %dma_start3A_718 : memref<1x50xi32, #tpu.memory_space<vmem>> -> memref<50xi32, #tpu.memory_space<vmem>>
        %dma_start3A_720 = arith.constant 0 : i32
        %dma_start3A_721 = arith.constant 0 : i32
        %dma_start3A_722 = tpu.memref_slice %arg3[%dma_start3A_720, %dma_start3A_721] : memref<1000000x32xf32, #tpu.memory_space<hbm>> -> memref<1000000x32xf32, #tpu.memory_space<hbm>>
        tpu.enqueue_indirect_dma source(%dma_start3A_722 : memref<1000000x32xf32, #tpu.memory_space<hbm>>) target(%dma_start3A_716 : memref<50x32xf32, #tpu.memory_space<vmem>>) offsets(%dma_start3A_719 : memref<50xi32, #tpu.memory_space<vmem>>) semaphore(%arg8 : memref<!tpu.dma_semaphore, #tpu.memory_space<semaphore_mem>>)
        %mul3A_723 = arith.constant 16 : i32
        %mul3A_724 = arith.muli %add3A_497, %mul3A_723 : i32
        %add3A_725 = arith.constant 15 : i32
        %add3A_726 = arith.addi %mul3A_724, %add3A_725 : i32
        %dma_start3A_727 = arith.constant 15 : i32
        %dma_start3A_728 = arith.constant 0 : i32
        %dma_start3A_729 = arith.constant 0 : i32
        %dma_start3A_730 = tpu.memref_slice %arg6[%dma_start3A_727, %dma_start3A_728, %dma_start3A_729] : memref<16x50x32xf32, #tpu.memory_space<vmem>> -> memref<1x50x32xf32, #tpu.memory_space<vmem>>
        %dma_start3A_731 = tpu.memref_squeeze %dma_start3A_730 : memref<1x50x32xf32, #tpu.memory_space<vmem>> -> memref<50x32xf32, #tpu.memory_space<vmem>>
        %dma_start3A_732 = arith.constant 0 : i32
        %dma_start3A_733 = tpu.memref_slice %arg5[%add3A_726, %dma_start3A_732] : memref<512x50xi32, #tpu.memory_space<vmem>> -> memref<1x50xi32, #tpu.memory_space<vmem>>
        %dma_start3A_734 = tpu.memref_squeeze %dma_start3A_733 : memref<1x50xi32, #tpu.memory_space<vmem>> -> memref<50xi32, #tpu.memory_space<vmem>>
        %dma_start3A_735 = arith.constant 0 : i32
        %dma_start3A_736 = arith.constant 0 : i32
        %dma_start3A_737 = tpu.memref_slice %arg3[%dma_start3A_735, %dma_start3A_736] : memref<1000000x32xf32, #tpu.memory_space<hbm>> -> memref<1000000x32xf32, #tpu.memory_space<hbm>>
        tpu.enqueue_indirect_dma source(%dma_start3A_737 : memref<1000000x32xf32, #tpu.memory_space<hbm>>) target(%dma_start3A_731 : memref<50x32xf32, #tpu.memory_space<vmem>>) offsets(%dma_start3A_734 : memref<50xi32, #tpu.memory_space<vmem>>) semaphore(%arg8 : memref<!tpu.dma_semaphore, #tpu.memory_space<semaphore_mem>>)
      } else {
      }
      %dma_wait3A_471 = arith.constant 0 : i32
      %dma_wait3A_472 = arith.constant 0 : i32
      %dma_wait3A_473 = arith.constant 0 : i32
      %dma_wait3A_474 = tpu.memref_slice %arg4[%dma_wait3A_471, %dma_wait3A_472, %dma_wait3A_473] : memref<16384x50x32xf32, #tpu.memory_space<hbm>> -> memref<16x50x32xf32, #tpu.memory_space<hbm>>
      %dma_wait3A_475 = arith.constant 0 : i32
      %dma_wait3A_476 = arith.constant 0 : i32
      %dma_wait3A_477 = arith.constant 0 : i32
      %dma_wait3A_478 = tpu.memref_slice %arg4[%dma_wait3A_475, %dma_wait3A_476, %dma_wait3A_477] : memref<16384x50x32xf32, #tpu.memory_space<hbm>> -> memref<16x50x32xf32, #tpu.memory_space<hbm>>
      tpu.wait_dma2 semaphore(%arg9 : memref<!tpu.dma_semaphore, #tpu.memory_space<semaphore_mem>>) src(%dma_wait3A_478 : memref<16x50x32xf32, #tpu.memory_space<hbm>>) dst(%arg7 : memref<16x50x32xf32, #tpu.memory_space<vmem>>)
      %add3A_479 = arith.constant 1 : i32
      %add3A_480 = arith.addi %add3A_202, %add3A_479 : i32
      %mul3A_481 = arith.constant 16 : i32
      %mul3A_482 = arith.muli %add3A_480, %mul3A_481 : i32
      %add3A_483 = arith.addi %mul3A_2, %mul3A_482 : i32
      %dma_start3A_484 = arith.constant 0 : i32
      %dma_start3A_485 = arith.constant 0 : i32
      %dma_start3A_486 = tpu.memref_slice %arg4[%add3A_483, %dma_start3A_484, %dma_start3A_485] : memref<16384x50x32xf32, #tpu.memory_space<hbm>> -> memref<16x50x32xf32, #tpu.memory_space<hbm>>
      %dma_start3A_487 = arith.constant 0 : i32
      %dma_start3A_488 = arith.constant 0 : i32
      %dma_start3A_489 = tpu.memref_slice %arg4[%add3A_483, %dma_start3A_487, %dma_start3A_488] : memref<16384x50x32xf32, #tpu.memory_space<hbm>> -> memref<16x50x32xf32, #tpu.memory_space<hbm>>
      tpu.enqueue_dma source(%arg7 : memref<16x50x32xf32, #tpu.memory_space<vmem>>) target(%dma_start3A_489 : memref<16x50x32xf32, #tpu.memory_space<hbm>>) target_semaphore(%arg11 : memref<!tpu.dma_semaphore, #tpu.memory_space<semaphore_mem>>)
      %dma_wait3A_490 = arith.constant 0 : i32
      %dma_wait3A_491 = arith.constant 0 : i32
      %dma_wait3A_492 = tpu.memref_slice %arg4[%add3A_483, %dma_wait3A_490, %dma_wait3A_491] : memref<16384x50x32xf32, #tpu.memory_space<hbm>> -> memref<16x50x32xf32, #tpu.memory_space<hbm>>
      %dma_wait3A_493 = arith.constant 0 : i32
      %dma_wait3A_494 = arith.constant 0 : i32
      %dma_wait3A_495 = tpu.memref_slice %arg4[%add3A_483, %dma_wait3A_493, %dma_wait3A_494] : memref<16384x50x32xf32, #tpu.memory_space<hbm>> -> memref<16x50x32xf32, #tpu.memory_space<hbm>>
      tpu.wait_dma2 semaphore(%arg11 : memref<!tpu.dma_semaphore, #tpu.memory_space<semaphore_mem>>) src(%arg7 : memref<16x50x32xf32, #tpu.memory_space<vmem>>) dst(%dma_wait3A_495 : memref<16x50x32xf32, #tpu.memory_space<hbm>>)
    }
    %scan3A_197 = arith.constant 16 : i32
    return
  }
}

</mosaic_0001>

<sc_bundles>
// kernel: kernel.3.cloned.1.call-start
scs
__scs_entry_jumppad:
0x0: {  	(pc) =	sbr.rel $0x88, $3  }
0x1: {  	(tag) =	ssettag $0x0;
	lr =	simm.s32 $0x1  }
0x2: {  	[smem:$0x3F9F] =	sst lr;
	_ =	strace $0xD0000000  }
0x3: {  	_ = 	snop  }
0x4: {  	_ = 	snop  }
0x5: {  	_ = 	snop  }
0x6: {  	_ = 	snop  }
0x7: {  	_ = 	snop  }
__scs_overlays_trampoline_lowered:
0x8: {  	[smem:$0x3FAE] =	sst s0  }
0x9: {  	[smem:$0x3FAF] =	sst s1  }
0xa: {  	[smem:$0x3FB0] =	sst s2  }
0xb: {  	[smem:$0x3FB1] =	sst s3  }
0xc: {  	[smem:$0x3FB2] =	sst s4  }
0xd: {  	[smem:$0x3FB3] =	sst s5  }
0xe: {  	[smem:$0x3FB4] =	sst s6  }
0xf: {  	[smem:$0x3FB5] =	sst s7  }
0x10: {  	[smem:$0x3FB6] =	sst s8  }
0x11: {  	[smem:$0x3FB7] =	sst s9;
	s0 =	simm.s32 @!p0 $0x0  }
0x12: {  	s1 =	sld [smem:$0x3F9D];
	s0 =	simm.s32 @p0 $0x1  }
0x13: {  	[smem:$0x3FB8] =	sst s0;
	s0 =	simm.s32 @!p1 $0x0  }
0x14: {  	s2 =	sld [smem:$0x3F9C];
	s0 =	simm.s32 @p1 $0x1  }
0x15: {  	[smem:$0x3FB9] =	sst s0;
	s0 =	simm.s32 @!p2 $0x0  }
0x16: {  	s3 =	sld [smem:$0x3FDB];
	s0 =	simm.s32 @p2 $0x1  }
0x17: {  	s4 =	simm.s32 $0x1BF5;
	[smem:$0x3FBB] =	sst s0  }
0x18: {  	s0 =	sld [smem:$0x3F9E];
	_ =	swait.ge [sflag:s4], $0x0  }
0x19: {  	s7 =	sld [smem:$0x3F9F]  }
0x1a: {  	s8 =	sadd.s32 $0xFFFFE003, lr  }
0x1b: {  	s9 =	sadd.s32 $0xFFFFFEF7, lr;
	s5 =	simm.s32 $0xFFFFFFFF;
	p2 =	slt.u32 s8, $0xFFFFF086  }
0x1c: {  	p1 =	slt.u32 s9, $0xF7A;
	s5 =	simm.s32 @!p2 $0x0  }
0x1d: {  	s5 =	simm.s32 @p1 $0x1;
	p0 =	seq.s32 s7, s2  }
0x1e: {  	s7 =	smul.u32 @!p0 $0xF7A, s2;
	p2 =	seq.s32 @!p0 s5, $0x0  }
0x1f: {  	s9 =	smul.u32 $0xF7A, s1;
	s8 =	simm.s32 @!p0 $0x1BF5;
	p2 =	por !p2, p0  }
0x20: {  	[sflag:s8] =	ssyncset.s32 @!p0 $0xFFFFF086;
	s6 =	sadd.s32 @!p0 s3, s7;
	s7 =	simm.s32 @!p0 $0x108  }
0x21: {  	s3 =	sadd.s32 s3, s9;
	s6 =	sadd.s32 @!p0 $0x88, s6;
	s7 =	simm.s32 @p2 $0x1082  }
0x22: {  	[simem:s7], [sflag:s8] =	dma.local @!p0 [hbm:s6], $0xF7A  }
0x23: {  	s9 =	sor.u32 $0xD0000000, s2;
	s6 =	simm.s32 $0x108;
	_ =	swait.ge @!p0 [sflag:s8], $0x0  }
0x24: {  	s3 =	sadd.s32 $0x88, s3;
	s6 =	simm.s32 @!p1 $0x1082;
	[sflag:s4] =	ssyncset.s32 $0xFFFFF086  }
0x25: {  	[simem:s6], [sflag:s4] =	dma.local [hbm:s3], $0xF7A  }
0x26: {  	[smem:$0x3F9F] =	sst s1;
	(tag) =	ssettag s2;
	_ =	strace s9  }
0x27: {  	s1 =	sld [smem:$0x3FAF]  }
0x28: {  	s2 =	sld [smem:$0x3FB0]  }
0x29: {  	s4 =	sld [smem:$0x3FB2]  }
0x2a: {  	p0 =	seq.s32 s5, $0x0;
	s5 =	sld [smem:$0x3FB3]  }
0x2b: {  	s6 =	sld [smem:$0x3FB4]  }
0x2c: {  	s7 =	sld [smem:$0x3FB5]  }
0x2d: {  	s3 =	simm.s32 $0x108;
	s8 =	sld [smem:$0x3FB6]  }
0x2e: {  	s3 =	simm.s32 @!p0 $0x1082;
	s9 =	sld [smem:$0x3FB7]  }
0x2f: {  	lr =	sadd.s32 s0, s3;
	s0 =	sld [smem:$0x3FAE]  }
0x30: {  	s3 =	sld [smem:$0x3FB1]  }
0x31: {  	[smem:$0x3FBA] =	sst s10  }
0x32: {  	s10 =	sld [smem:$0x3FB8];
	_ =	sdelay $0x3  }
0x33: {  	p0 =	seq.s32 s10, $0x1;
	s10 =	sld [smem:$0x3FBA];
	_ =	sdelay $0x3  }
0x34: {  	[smem:$0x3FBA] =	sst s10  }
0x35: {  	s10 =	sld [smem:$0x3FB9];
	_ =	sdelay $0x3  }
0x36: {  	p1 =	seq.s32 s10, $0x1;
	s10 =	sld [smem:$0x3FBA];
	_ =	sdelay $0x3  }
0x37: {  	[smem:$0x3FBA] =	sst s10  }
0x38: {  	s10 =	sld [smem:$0x3FBB]  }
0x39: {  	_ = 	snop;
	(pc) =	sbr.ind lr, $3  }
0x3a: {  	_ = 	snop  }
0x3b: {  	_ = 	snop  }
0x3c: {  	p2 =	seq.s32 s10, $0x1;
	s10 =	sld [smem:$0x3FBA]  }
0x3d: {  	_ =	shalt  }
0x3e: {  	_ =	shalt  }
0x3f: {  	_ =	shalt  }
0x40: {  	_ =	shalt  }
0x41: {  	_ =	shalt  }
0x42: {  	_ =	shalt  }
0x43: {  	_ =	shalt  }
0x44: {  	_ =	shalt  }
0x45: {  	_ =	shalt  }
0x46: {  	_ =	shalt  }
0x47: {  	_ =	shalt  }
0x48: {  	_ =	shalt  }
0x49: {  	_ =	shalt  }
0x4a: {  	_ =	shalt  }
0x4b: {  	_ =	shalt  }
0x4c: {  	_ =	shalt  }
0x4d: {  	_ =	shalt  }
0x4e: {  	_ =	shalt  }
0x4f: {  	_ =	shalt  }
0x50: {  	_ =	shalt  }
0x51: {  	_ =	shalt  }
0x52: {  	_ =	shalt  }
0x53: {  	_ =	shalt  }
0x54: {  	_ =	shalt  }
0x55: {  	_ =	shalt  }
0x56: {  	_ =	shalt  }
0x57: {  	_ =	shalt  }
0x58: {  	_ =	shalt  }
0x59: {  	_ =	shalt  }
0x5a: {  	_ =	shalt  }
0x5b: {  	_ =	shalt  }
0x5c: {  	_ =	shalt  }
0x5d: {  	_ =	shalt  }
0x5e: {  	_ =	shalt  }
0x5f: {  	_ =	shalt  }
0x60: {  	_ =	shalt  }
0x61: {  	_ =	shalt  }
0x62: {  	_ =	shalt  }
0x63: {  	_ =	shalt  }
0x64: {  	_ =	shalt  }
0x65: {  	_ =	shalt  }
0x66: {  	_ =	shalt  }
0x67: {  	_ =	shalt  }
0x68: {  	_ =	shalt  }
0x69: {  	_ =	shalt  }
0x6a: {  	_ =	shalt  }
0x6b: {  	_ =	shalt  }
0x6c: {  	_ =	shalt  }
0x6d: {  	_ =	shalt  }
0x6e: {  	_ =	shalt  }
0x6f: {  	_ =	shalt  }
0x70: {  	_ =	shalt  }
0x71: {  	_ =	shalt  }
0x72: {  	_ =	shalt  }
0x73: {  	_ =	shalt  }
0x74: {  	_ =	shalt  }
0x75: {  	_ =	shalt  }
0x76: {  	_ =	shalt  }
0x77: {  	_ =	shalt  }
0x78: {  	_ =	shalt  }
0x79: {  	_ =	shalt  }
0x7a: {  	_ =	shalt  }
0x7b: {  	_ =	shalt  }
0x7c: {  	_ =	shalt  }
0x7d: {  	_ =	shalt  }
0x7e: {  	_ =	shalt  }
0x7f: {  	_ =	shalt  }
0x80: {  	_ =	shalt  }
0x81: {  	_ =	shalt  }
0x82: {  	_ =	shalt  }
0x83: {  	_ =	shalt  }
0x84: {  	_ =	shalt  }
0x85: {  	_ =	shalt  }
0x86: {  	_ =	shalt  }
0x87: {  	_ =	shalt  }
.Lfunc_end0:
.L_simem_size_0:
called_computation.1_lowered:
.L_overlay_start_0:
0x88: {  	s2 =	sld [smem:$0x3FD9]  }
0x89: {  	s3 =	sld [smem:$0x3FFE];
	_ =	sdelay $0x1  }
0x8a: {  	s1 =	srdreg.scid  }
0x8b: {  	s0 =	sand.u32 $0x1, s1  }
0x8c: {  	s17 =	sshll.u32 s0, $0xA;
	s2 =	sadd.s32 s3, s2  }
0x8d: {  	s2 =	sadd.s32 s2, s17  }
0x8e: {  	[smem:$0x3FC6] =	sst s2  }
0x8f: {  	_ = 	snop  }
0x90: {  	s2 =	sld [smem:$0x3FD0];
	(tm) =	ssettm $0x1  }
0x91: {  	s18 =	sld [smem:$0x3FFB];
	_ =	sdelay $0x3  }
0x92: {  	_ =	strace s18  }
0x93: {  	s3 =	sld [smem:$0x3FFC];
	_ =	sdelay $0x3  }
0x94: {  	_ =	strace s3  }
0x95: {  	s3 =	sld [smem:$0x3FFD];
	_ =	sdelay $0x3  }
0x96: {  	_ =	strace s3  }
0x97: {  	_ =	strace $0x8FFFFFFF  }
0x98: {  	s19 =	sld [smem:$0x3FDB];
	_ =	sdelay $0x1  }
0x99: {  	s4 =	simm.s32 $_scs_section_size  }
0x9a: {  	s5 =	simm.s32 $_size__tile_overlayer_lowered;
	s6 =	simm.s32 $_tile_overlayer_lowered  }
0x9b: {  	s22 =	simm.s32 $0x1BFF;
	s21 =	sshll.u32 s6, $0x1;
	s3 =	sadd.s32 s4, s19  }
0x9c: {  	s7 =	simm.s32 $0x0;
	s20 =	sshll.u32 s5, $0x1;
	s5 =	sadd.s32 s21, s3  }
0x9d: {  	[timem:s7], [sflag:s22] =	dma.local [hbm:s5], s20  }
0x9e: {  	_ =	swait.ge [sflag:s22], s20  }
0x9f: {  	s4 =	ssub.s32 $0x0, s20;
	[sflag:s22] =	ssyncset.done $0x0  }
0xa0: {  	[sflag:s22] =	ssyncadd.s32 s4;
	_ =	sdelay $0x1  }
0xa1: {  	s23 =	simm.s32 $0x1B8B  }
0xa2: {  	_ =	swait.ge [sflag:s23], $0x1  }
0xa3: {  	[sflag:s23] =	ssyncset.done $0x0  }
0xa4: {  	s25 =	simm.s32 $0x1B8E;
	s24 =	sld [smem:$0x3FFE];
	[sflag:s23] =	ssyncadd.s32 $0xFFFFFFFF  }
0xa5: {  	s26 =	simm.s32 $execute0_lowered;
	[smem:$0x3FD2] =	sst s25  }
0xa6: {  	s5 =	sshll.u32 s26, $0x1;
	_ =	strace $0x80000046;
	[dreg:$0x1] =	wrdreg $0xFFFFFFFF  }
0xa7: {  	s28 =	simm.s32 $_size_execute0_lowered;
	s3 =	sadd.s32 s3, s5;
	[dreg:$0x0] =	wrdreg $0x0  }
0xa8: {  	s5 =	sshll.u32 s28, $0x1;
	[dreg:$0x2] =	wrdreg s3  }
0xa9: {  	[dreg:$0x3] =	wrdreg s5  }
0xaa: {  	[dreg:$0x4] =	wrdreg $0xC0  }
0xab: {  	_ =	task [dreg:s7], $0x5FFFF  }
0xac: {  	[dreg:$0x1] =	wrdreg $0xFFFFFFFF  }
0xad: {  	[dreg:$0x0] =	wrdreg $0x60  }
0xae: {  	[dreg:$0x2] =	wrdreg s24  }
0xaf: {  	[dreg:$0x3] =	wrdreg s2  }
0xb0: {  	[dreg:$0x4] =	wrdreg $0x9  }
0xb1: {  	_ =	task.clear_ibuf [dreg:s7], $0x5FFFF;
	_ =	strace $0x90000046  }
0xb2: {  	s29 =	simm.s32 $0x9;
	_ =	strace $0x80000048  }
0xb3: {  	_ =	swait.ge [sflag:s29], $0x1  }
0xb4: {  	[sflag:s29] =	ssyncadd.s32 $0xFFFFFFFF  }
0xb5: {  	_ =	strace $0x90000048  }
0xb6: {  	_ =	sfence  }
0xb7: {  	s30 =	sld [smem:$0x0];
	_ =	sdelay $0x2  }
0xb8: {  	s31 =	sshll.u32 s1, $0xD;
	s1 =	sshrl.u32 s1, $0x2  }
0xb9: {  	s3 =	sand.u32 $0x4000, s31;
	s1 =	sadd.s32 s1, s30  }
0xba: {  	s0 =	sor.u32 s3, s0;
	s1 =	sshll.u32 s1, $0x11  }
0xbb: {  	s0 =	sor.u32 s1, s0  }
0xbc: {  	s0 =	sadd.s32 $0x8F2B, s0  }
0xbd: {  	[sflag:s0] =	ssyncadd.remote.s32 $0x1  }
0xbe: {  	_ =	sfence.sel $0xFFFF  }
0xbf: {  	[dreg:$0x0] =	wrdreg $0xFFFFFFFF;
	(pc) =	sbr.abs _section_cstart, $3  }
0xc0: {  	[dreg:$0x1] =	wrdreg $0xFFFFFFFF  }
0xc1: {  	_ =	task.clear_ibuf [dreg:s7], $0x2FFFF;
	_ =	strace $0x9FFFFFFF  }
0xc2: {  	(tm) =	ssettm $0x7FFFFFFF  }
0xc3: {  	_ =	shalt  }
tec
execute0_lowered:
.L_overlay_start_1:
0x0: {  	(tag) =	ssettag $0x1  }
0x1: {  	s0 =	srdreg.scid;
	s1 =	rddreg [dreg:$0x0]  }
0x2: {  	s9 =	stileid.u32;
	s4 =	rddreg [dreg:$0x1]  }
0x3: {  	s2 =	simm.s32 $0x0;
	s10 =	simm.s32 $0x32;
	s11 =	simm.s32 $0x7000  }
0x4: {  	s31 =	simm.s32 $0xD400;
	s19 =	simm.s32 $0xDA40;
	s13 =	simm.s32 $0x10600  }
0x5: {  	s14 =	simm.s32 $0x10C40;
	s15 =	simm.s32 $0x11280;
	s17 =	simm.s32 $0x118C0  }
0x6: {  	s18 =	simm.s32 $0x11F00;
	s29 =	simm.s32 $0x131C0;
	s21 =	simm.s32 $0x1  }
0x7: {  	s28 =	simm.s32 $0x4;
	s0 =	sand.u32 $0x1, s0;
	s3 =	sshll.u32 s9, $0xA  }
0x8: {  	[smem:$0x7FF] =	sst s2;
	s23 =	smul.u32 $0x32000, s9;
	s9 =	simm.s32 $0xFFC0  }
0x9: {  	s5 =	sshll.u32 s0, $0x9;
	_ =	strace $0x80000047;
	s6 =	ssub.s32 $0x2, s0  }
0xa: {  	s0 =	smul.u32 $0x19000, s0;
	s3 =	sor.u32 s5, s3;
	s7 =	sshrl.u32 s6, $0x1  }
0xb: {  	s26 =	sadd.s32 s23, s4;
	s23 =	simm.s32 $0x3;
	s5 =	smul.u32 $0x7, s3  }
0xc: {  	s8 =	smul.u32 $0xC8, s3;
	s3 =	sadd.s32 $0xF42E00, s1;
	s22 =	ssub.s32 s6, s7  }
0xd: {  	s0 =	sadd.s32 s0, s26;
	s6 =	simm.s32 $0xED00;
	s7 =	simm.s32 $0xF340  }
0xe: {  	s26 =	simm.s32 $0x12B80;
	[dreg:$0x7] =	wrdreg s0;
	s0 =	simm.s32 $0x0  }
0xf: {  	s5 =	sadd.s32 s5, s1;
	s24 =	sadd.s32 s4, s8;
	s1 =	smax.u32 s22, $0x1  }
0x10: {  	s4 =	simm.s32 $0xE080;
	s5 =	sadd.s32 $0xA00, s5;
	[dreg:$0x4] =	wrdreg s1  }
0x11: {  	s8 =	simm.s32 $0xF980;
	s25 =	sadd.s32 $0x17700, s24;
	[dreg:$0x3] =	wrdreg s5  }
0x12: {  	s22 =	simm.s32 $0x12540;
	s30 =	sadd.s32 $0x18380, s24;
	[dreg:$0x5] =	wrdreg s25  }
0x13: {  	[dreg:$0x6] =	wrdreg s30;
	s5 =	simm.s32 $0xE6C0;
	s25 =	simm.s32 $0x2  }
.LBB2_1:
0x14: {  	[dreg:$0x8] =	wrdreg s0  }
0x15: {  	s1 =	rddreg [dreg:$0x3];
	s20 =	simm.s32 $0x5  }
0x16: {  	[tilespmem:s2], [sflag:$0x5] =	stream.linear.gather [hbm4b:s1+s2], $0x7000, $0x38;
	[tilespmem:$0x13800] =	vst v63  }
0x17: {  	_ =	swait.ge [sflag:s20], $0x7000  }
0x18: {  	[sflag:s20] =	ssyncset.done $0x0  }
0x19: {  	[sflag:s20] =	ssyncadd.s32 $0xFFFF9000  }
0x1a: {  	[tilespmem:s11], [sflag:$0x1] =	stream.indirect.gather [hbm4b:s3+s10], $0x20, s2, s10, $0xb8;
	[tilespmem:$0x13800] =	vst v63  }
0x1b: {  	s24 =	simm.s32 $0x38;
	s12 =	simm.s32 $0x7640  }
0x1c: {  	[tilespmem:s12], [sflag:$0x1] =	stream.indirect.gather [hbm4b:s3+s10], $0x20, s24, s10, $0xb8;
	[tilespmem:$0x13800] =	vst v63  }
0x1d: {  	s0 =	simm.s32 $0x70;
	s20 =	simm.s32 $0x7C80  }
0x1e: {  	[tilespmem:s20], [sflag:$0x1] =	stream.indirect.gather [hbm4b:s3+s10], $0x20, s0, s10, $0xb8;
	[tilespmem:$0x13800] =	vst v63  }
0x1f: {  	s1 =	simm.s32 $0xA8;
	s24 =	simm.s32 $0x82C0  }
0x20: {  	[tilespmem:s24], [sflag:$0x1] =	stream.indirect.gather [hbm4b:s3+s10], $0x20, s1, s10, $0xb8;
	[tilespmem:$0x13800] =	vst v63  }
0x21: {  	s16 =	simm.s32 $0xE0;
	s30 =	simm.s32 $0x8900  }
0x22: {  	[tilespmem:s30], [sflag:$0x1] =	stream.indirect.gather [hbm4b:s3+s10], $0x20, s16, s10, $0xb8;
	[tilespmem:$0x13800] =	vst v63  }
0x23: {  	s1 =	simm.s32 $0x118;
	s16 =	simm.s32 $0x8F40  }
0x24: {  	[tilespmem:s16], [sflag:$0x1] =	stream.indirect.gather [hbm4b:s3+s10], $0x20, s1, s10, $0xb8;
	[tilespmem:$0x13800] =	vst v63  }
0x25: {  	s1 =	simm.s32 $0x150;
	s16 =	simm.s32 $0x9580  }
0x26: {  	[tilespmem:s16], [sflag:$0x1] =	stream.indirect.gather [hbm4b:s3+s10], $0x20, s1, s10, $0xb8;
	[tilespmem:$0x13800] =	vst v63  }
0x27: {  	s1 =	simm.s32 $0x188;
	s16 =	simm.s32 $0x9BC0  }
0x28: {  	[tilespmem:s16], [sflag:$0x1] =	stream.indirect.gather [hbm4b:s3+s10], $0x20, s1, s10, $0xb8;
	[tilespmem:$0x13800] =	vst v63  }
0x29: {  	s1 =	simm.s32 $0x1C0;
	s16 =	simm.s32 $0xA200  }
0x2a: {  	[tilespmem:s16], [sflag:$0x1] =	stream.indirect.gather [hbm4b:s3+s10], $0x20, s1, s10, $0xb8;
	[tilespmem:$0x13800] =	vst v63  }
0x2b: {  	s1 =	simm.s32 $0x1F8;
	s16 =	simm.s32 $0xA840  }
0x2c: {  	[tilespmem:s16], [sflag:$0x1] =	stream.indirect.gather [hbm4b:s3+s10], $0x20, s1, s10, $0xb8;
	[tilespmem:$0x13800] =	vst v63  }
0x2d: {  	s1 =	simm.s32 $0x230;
	s16 =	simm.s32 $0xAE80  }
0x2e: {  	[tilespmem:s16], [sflag:$0x1] =	stream.indirect.gather [hbm4b:s3+s10], $0x20, s1, s10, $0xb8;
	[tilespmem:$0x13800] =	vst v63  }
0x2f: {  	s1 =	simm.s32 $0x268;
	s16 =	simm.s32 $0xB4C0  }
0x30: {  	[tilespmem:s16], [sflag:$0x1] =	stream.indirect.gather [hbm4b:s3+s10], $0x20, s1, s10, $0xb8;
	[tilespmem:$0x13800] =	vst v63  }
0x31: {  	s1 =	simm.s32 $0x2A0;
	s16 =	simm.s32 $0xBB00  }
0x32: {  	[tilespmem:s16], [sflag:$0x1] =	stream.indirect.gather [hbm4b:s3+s10], $0x20, s1, s10, $0xb8;
	[tilespmem:$0x13800] =	vst v63  }
0x33: {  	s1 =	simm.s32 $0x2D8;
	s16 =	simm.s32 $0xC140  }
0x34: {  	[tilespmem:s16], [sflag:$0x1] =	stream.indirect.gather [hbm4b:s3+s10], $0x20, s1, s10, $0xb8;
	[tilespmem:$0x13800] =	vst v63  }
0x35: {  	s1 =	simm.s32 $0x310;
	s16 =	simm.s32 $0xC780  }
0x36: {  	[tilespmem:s16], [sflag:$0x1] =	stream.indirect.gather [hbm4b:s3+s10], $0x20, s1, s10, $0xb8;
	[tilespmem:$0x13800] =	vst v63  }
0x37: {  	s1 =	simm.s32 $0x348;
	s16 =	simm.s32 $0xCDC0  }
0x38: {  	[tilespmem:s16], [sflag:$0x1] =	stream.indirect.gather [hbm4b:s3+s10], $0x20, s1, s10, $0xb8;
	[tilespmem:$0x13800] =	vst v63  }
0x39: {  	s0 =	simm.s32 $0x380  }
0x3a: {  	[tilespmem:s31], [sflag:$0x2] =	stream.indirect.gather [hbm4b:s3+s10], $0x20, s0, s10, $0xb8;
	[tilespmem:$0x13800] =	vst v63  }
0x3b: {  	s16 =	simm.s32 $0x3B8  }
0x3c: {  	[tilespmem:s19], [sflag:$0x2] =	stream.indirect.gather [hbm4b:s3+s10], $0x20, s16, s10, $0xb8;
	[tilespmem:$0x13800] =	vst v63  }
0x3d: {  	s0 =	simm.s32 $0x3F0  }
0x3e: {  	[tilespmem:s4], [sflag:$0x2] =	stream.indirect.gather [hbm4b:s3+s10], $0x20, s0, s10, $0xb8;
	[tilespmem:$0x13800] =	vst v63  }
0x3f: {  	s16 =	simm.s32 $0x428  }
0x40: {  	[tilespmem:s5], [sflag:$0x2] =	stream.indirect.gather [hbm4b:s3+s10], $0x20, s16, s10, $0xb8;
	[tilespmem:$0x13800] =	vst v63  }
0x41: {  	s0 =	simm.s32 $0x460  }
0x42: {  	[tilespmem:s6], [sflag:$0x2] =	stream.indirect.gather [hbm4b:s3+s10], $0x20, s0, s10, $0xb8;
	[tilespmem:$0x13800] =	vst v63  }
0x43: {  	s16 =	simm.s32 $0x498  }
0x44: {  	[tilespmem:s7], [sflag:$0x2] =	stream.indirect.gather [hbm4b:s3+s10], $0x20, s16, s10, $0xb8;
	[tilespmem:$0x13800] =	vst v63  }
0x45: {  	s0 =	simm.s32 $0x4D0  }
0x46: {  	[tilespmem:s8], [sflag:$0x2] =	stream.indirect.gather [hbm4b:s3+s10], $0x20, s0, s10, $0xb8;
	[tilespmem:$0x13800] =	vst v63  }
0x47: {  	s16 =	simm.s32 $0x508  }
0x48: {  	[tilespmem:s9], [sflag:$0x2] =	stream.indirect.gather [hbm4b:s3+s10], $0x20, s16, s10, $0xb8;
	[tilespmem:$0x13800] =	vst v63  }
0x49: {  	s0 =	simm.s32 $0x540  }
0x4a: {  	[tilespmem:s13], [sflag:$0x2] =	stream.indirect.gather [hbm4b:s3+s10], $0x20, s0, s10, $0xb8;
	[tilespmem:$0x13800] =	vst v63  }
0x4b: {  	s16 =	simm.s32 $0x578  }
0x4c: {  	[tilespmem:s14], [sflag:$0x2] =	stream.indirect.gather [hbm4b:s3+s10], $0x20, s16, s10, $0xb8;
	[tilespmem:$0x13800] =	vst v63  }
0x4d: {  	s0 =	simm.s32 $0x5B0  }
0x4e: {  	[tilespmem:s15], [sflag:$0x2] =	stream.indirect.gather [hbm4b:s3+s10], $0x20, s0, s10, $0xb8;
	[tilespmem:$0x13800] =	vst v63  }
0x4f: {  	s16 =	simm.s32 $0x5E8  }
0x50: {  	[tilespmem:s17], [sflag:$0x2] =	stream.indirect.gather [hbm4b:s3+s10], $0x20, s16, s10, $0xb8;
	[tilespmem:$0x13800] =	vst v63  }
0x51: {  	s0 =	simm.s32 $0x620  }
0x52: {  	[tilespmem:s18], [sflag:$0x2] =	stream.indirect.gather [hbm4b:s3+s10], $0x20, s0, s10, $0xb8;
	[tilespmem:$0x13800] =	vst v63  }
0x53: {  	s16 =	simm.s32 $0x658  }
0x54: {  	[tilespmem:s22], [sflag:$0x2] =	stream.indirect.gather [hbm4b:s3+s10], $0x20, s16, s10, $0xb8;
	[tilespmem:$0x13800] =	vst v63  }
0x55: {  	s0 =	simm.s32 $0x690  }
0x56: {  	[tilespmem:s26], [sflag:$0x2] =	stream.indirect.gather [hbm4b:s3+s10], $0x20, s0, s10, $0xb8;
	[tilespmem:$0x13800] =	vst v63  }
0x57: {  	s16 =	simm.s32 $0x6C8  }
0x58: {  	[tilespmem:s29], [sflag:$0x2] =	stream.indirect.gather [hbm4b:s3+s10], $0x20, s16, s10, $0xb8;
	[tilespmem:$0x13800] =	vst v63  }
0x59: {  	_ =	swait.ge [sflag:s21], $0x6400  }
0x5a: {  	[sflag:s21] =	ssyncset.done $0x0  }
0x5b: {  	s16 =	rddreg [dreg:$0x7];
	[sflag:s21] =	ssyncadd.s32 $0xFFFF9C00  }
0x5c: {  	[hbm4b:s16+s2] =	stream.linear.scatter [tilespmem:s11], [sflag:$0x3], $0x6400, $0x38;
	[tilespmem:$0x13800] =	vst v63  }
0x5d: {  	_ =	swait.ge [sflag:s23], $0x6400  }
0x5e: {  	[sflag:s23] =	ssyncset.done $0x0  }
0x5f: {  	s0 =	simm.s32 $0x700;
	[sflag:s23] =	ssyncadd.s32 $0xFFFF9C00  }
0x60: {  	[tilespmem:s11], [sflag:$0x1] =	stream.indirect.gather [hbm4b:s3+s10], $0x20, s0, s10, $0xb8;
	[tilespmem:$0x13800] =	vst v63  }
0x61: {  	s0 =	simm.s32 $0x738  }
0x62: {  	[tilespmem:s12], [sflag:$0x1] =	stream.indirect.gather [hbm4b:s3+s10], $0x20, s0, s10, $0xb8;
	[tilespmem:$0x13800] =	vst v63  }
0x63: {  	s12 =	simm.s32 $0x770  }
0x64: {  	[tilespmem:s20], [sflag:$0x1] =	stream.indirect.gather [hbm4b:s3+s10], $0x20, s12, s10, $0xb8;
	[tilespmem:$0x13800] =	vst v63  }
0x65: {  	s20 =	simm.s32 $0x7A8  }
0x66: {  	[tilespmem:s24], [sflag:$0x1] =	stream.indirect.gather [hbm4b:s3+s10], $0x20, s20, s10, $0xb8;
	[tilespmem:$0x13800] =	vst v63  }
0x67: {  	s12 =	simm.s32 $0x7E0  }
0x68: {  	[tilespmem:s30], [sflag:$0x1] =	stream.indirect.gather [hbm4b:s3+s10], $0x20, s12, s10, $0xb8;
	[tilespmem:$0x13800] =	vst v63  }
0x69: {  	s20 =	simm.s32 $0x818;
	s24 =	simm.s32 $0x8F40  }
0x6a: {  	[tilespmem:s24], [sflag:$0x1] =	stream.indirect.gather [hbm4b:s3+s10], $0x20, s20, s10, $0xb8;
	[tilespmem:$0x13800] =	vst v63  }
0x6b: {  	s20 =	simm.s32 $0x850;
	s24 =	simm.s32 $0x9580  }
0x6c: {  	[tilespmem:s24], [sflag:$0x1] =	stream.indirect.gather [hbm4b:s3+s10], $0x20, s20, s10, $0xb8;
	[tilespmem:$0x13800] =	vst v63  }
0x6d: {  	s20 =	simm.s32 $0x888;
	s24 =	simm.s32 $0x9BC0  }
0x6e: {  	[tilespmem:s24], [sflag:$0x1] =	stream.indirect.gather [hbm4b:s3+s10], $0x20, s20, s10, $0xb8;
	[tilespmem:$0x13800] =	vst v63  }
0x6f: {  	s20 =	simm.s32 $0x8C0;
	s24 =	simm.s32 $0xA200  }
0x70: {  	[tilespmem:s24], [sflag:$0x1] =	stream.indirect.gather [hbm4b:s3+s10], $0x20, s20, s10, $0xb8;
	[tilespmem:$0x13800] =	vst v63  }
0x71: {  	s20 =	simm.s32 $0x8F8;
	s24 =	simm.s32 $0xA840  }
0x72: {  	[tilespmem:s24], [sflag:$0x1] =	stream.indirect.gather [hbm4b:s3+s10], $0x20, s20, s10, $0xb8;
	[tilespmem:$0x13800] =	vst v63  }
0x73: {  	s20 =	simm.s32 $0x930;
	s24 =	simm.s32 $0xAE80  }
0x74: {  	[tilespmem:s24], [sflag:$0x1] =	stream.indirect.gather [hbm4b:s3+s10], $0x20, s20, s10, $0xb8;
	[tilespmem:$0x13800] =	vst v63  }
0x75: {  	s20 =	simm.s32 $0x968;
	s24 =	simm.s32 $0xB4C0  }
0x76: {  	[tilespmem:s24], [sflag:$0x1] =	stream.indirect.gather [hbm4b:s3+s10], $0x20, s20, s10, $0xb8;
	[tilespmem:$0x13800] =	vst v63  }
0x77: {  	s20 =	simm.s32 $0x9A0;
	s24 =	simm.s32 $0xBB00  }
0x78: {  	[tilespmem:s24], [sflag:$0x1] =	stream.indirect.gather [hbm4b:s3+s10], $0x20, s20, s10, $0xb8;
	[tilespmem:$0x13800] =	vst v63  }
0x79: {  	s20 =	simm.s32 $0x9D8;
	s24 =	simm.s32 $0xC140  }
0x7a: {  	[tilespmem:s24], [sflag:$0x1] =	stream.indirect.gather [hbm4b:s3+s10], $0x20, s20, s10, $0xb8;
	[tilespmem:$0x13800] =	vst v63  }
0x7b: {  	s20 =	simm.s32 $0xA10;
	s24 =	simm.s32 $0xC780  }
0x7c: {  	[tilespmem:s24], [sflag:$0x1] =	stream.indirect.gather [hbm4b:s3+s10], $0x20, s20, s10, $0xb8;
	[tilespmem:$0x13800] =	vst v63  }
0x7d: {  	s12 =	simm.s32 $0xA48;
	s20 =	simm.s32 $0xCDC0  }
0x7e: {  	[tilespmem:s20], [sflag:$0x1] =	stream.indirect.gather [hbm4b:s3+s10], $0x20, s12, s10, $0xb8;
	[tilespmem:$0x13800] =	vst v63  }
0x7f: {  	_ =	swait.ge [sflag:s25], $0x6400  }
0x80: {  	[sflag:s25] =	ssyncset.done $0x0  }
0x81: {  	s24 =	sadd.s32 $0xC80, s16;
	[sflag:s25] =	ssyncadd.s32 $0xFFFF9C00  }
0x82: {  	[hbm4b:s24+s2] =	stream.linear.scatter [tilespmem:s31], [sflag:$0x4], $0x6400, $0x38;
	[tilespmem:$0x13800] =	vst v63  }
0x83: {  	s1 =	simm.s32 $0x700;
	s0 =	simm.s32 $0x7C80;
	_ =	swait.ge [sflag:s28], $0x6400  }
0x84: {  	s30 =	sadd.s32 $0x1900, s16;
	s12 =	simm.s32 $0x3800;
	[sflag:s28] =	ssyncset.done $0x0  }
.LBB2_2:
0x85: {  	s24 =	sadd.s32 $0x380, s1  }
0x86: {  	[sflag:s28] =	ssyncadd.s32 $0xFFFF9C00;
	s16 =	smov.u32 s12;
	s20 =	sadd.s32 $0x1C00, s12  }
0x87: {  	[tilespmem:s31], [sflag:$0x2] =	stream.indirect.gather [hbm4b:s3+s10], $0x20, s24, s10, $0xb8;
	[tilespmem:$0x13800] =	vst v63  }
0x88: {  	p0 =	sne.s32 s12, $0x18800;
	s12 =	sadd.s32 $0x3B8, s1  }
0x89: {  	[tilespmem:s19], [sflag:$0x2] =	stream.indirect.gather [hbm4b:s3+s10], $0x20, s12, s10, $0xb8;
	[tilespmem:$0x13800] =	vst v63  }
0x8a: {  	s12 =	sadd.s32 $0x3F0, s1  }
0x8b: {  	[tilespmem:s4], [sflag:$0x2] =	stream.indirect.gather [hbm4b:s3+s10], $0x20, s12, s10, $0xb8;
	[tilespmem:$0x13800] =	vst v63  }
0x8c: {  	s12 =	sadd.s32 $0x428, s1  }
0x8d: {  	[tilespmem:s5], [sflag:$0x2] =	stream.indirect.gather [hbm4b:s3+s10], $0x20, s12, s10, $0xb8;
	[tilespmem:$0x13800] =	vst v63  }
0x8e: {  	s12 =	sadd.s32 $0x460, s1  }
0x8f: {  	[tilespmem:s6], [sflag:$0x2] =	stream.indirect.gather [hbm4b:s3+s10], $0x20, s12, s10, $0xb8;
	[tilespmem:$0x13800] =	vst v63  }
0x90: {  	s12 =	sadd.s32 $0x498, s1  }
0x91: {  	[tilespmem:s7], [sflag:$0x2] =	stream.indirect.gather [hbm4b:s3+s10], $0x20, s12, s10, $0xb8;
	[tilespmem:$0x13800] =	vst v63  }
0x92: {  	s12 =	sadd.s32 $0x4D0, s1  }
0x93: {  	[tilespmem:s8], [sflag:$0x2] =	stream.indirect.gather [hbm4b:s3+s10], $0x20, s12, s10, $0xb8;
	[tilespmem:$0x13800] =	vst v63  }
0x94: {  	s12 =	sadd.s32 $0x508, s1  }
0x95: {  	[tilespmem:s9], [sflag:$0x2] =	stream.indirect.gather [hbm4b:s3+s10], $0x20, s12, s10, $0xb8;
	[tilespmem:$0x13800] =	vst v63  }
0x96: {  	s12 =	sadd.s32 $0x540, s1  }
0x97: {  	[tilespmem:s13], [sflag:$0x2] =	stream.indirect.gather [hbm4b:s3+s10], $0x20, s12, s10, $0xb8;
	[tilespmem:$0x13800] =	vst v63  }
0x98: {  	s12 =	sadd.s32 $0x578, s1  }
0x99: {  	[tilespmem:s14], [sflag:$0x2] =	stream.indirect.gather [hbm4b:s3+s10], $0x20, s12, s10, $0xb8;
	[tilespmem:$0x13800] =	vst v63  }
0x9a: {  	s12 =	sadd.s32 $0x5B0, s1  }
0x9b: {  	[tilespmem:s15], [sflag:$0x2] =	stream.indirect.gather [hbm4b:s3+s10], $0x20, s12, s10, $0xb8;
	[tilespmem:$0x13800] =	vst v63  }
0x9c: {  	s12 =	sadd.s32 $0x5E8, s1  }
0x9d: {  	[tilespmem:s17], [sflag:$0x2] =	stream.indirect.gather [hbm4b:s3+s10], $0x20, s12, s10, $0xb8;
	[tilespmem:$0x13800] =	vst v63  }
0x9e: {  	s12 =	sadd.s32 $0x620, s1  }
0x9f: {  	[tilespmem:s18], [sflag:$0x2] =	stream.indirect.gather [hbm4b:s3+s10], $0x20, s12, s10, $0xb8;
	[tilespmem:$0x13800] =	vst v63  }
0xa0: {  	s12 =	sadd.s32 $0x658, s1  }
0xa1: {  	[tilespmem:s22], [sflag:$0x2] =	stream.indirect.gather [hbm4b:s3+s10], $0x20, s12, s10, $0xb8;
	[tilespmem:$0x13800] =	vst v63  }
0xa2: {  	s12 =	sadd.s32 $0x690, s1  }
0xa3: {  	[tilespmem:s26], [sflag:$0x2] =	stream.indirect.gather [hbm4b:s3+s10], $0x20, s12, s10, $0xb8;
	[tilespmem:$0x13800] =	vst v63  }
0xa4: {  	s12 =	sadd.s32 $0x6C8, s1  }
0xa5: {  	[tilespmem:s29], [sflag:$0x2] =	stream.indirect.gather [hbm4b:s3+s10], $0x20, s12, s10, $0xb8;
	[tilespmem:$0x13800] =	vst v63  }
0xa6: {  	_ =	swait.ge [sflag:s21], $0x6400  }
0xa7: {  	[sflag:s21] =	ssyncset.done $0x0  }
0xa8: {  	[sflag:s21] =	ssyncadd.s32 $0xFFFF9C00  }
0xa9: {  	[hbm4b:s30+s2] =	stream.linear.scatter [tilespmem:s11], [sflag:$0x3], $0x6400, $0x38;
	[tilespmem:$0x13800] =	vst v63  }
0xaa: {  	_ =	swait.ge [sflag:s23], $0x6400  }
0xab: {  	[sflag:s23] =	ssyncset.done $0x0  }
0xac: {  	s12 =	sadd.s32 $0x700, s1;
	[sflag:s23] =	ssyncadd.s32 $0xFFFF9C00  }
0xad: {  	[tilespmem:s11], [sflag:$0x1] =	stream.indirect.gather [hbm4b:s3+s10], $0x20, s12, s10, $0xb8;
	[tilespmem:$0x13800] =	vst v63  }
0xae: {  	s24 =	simm.s32 $0x7640;
	s12 =	sadd.s32 $0x738, s1  }
0xaf: {  	[tilespmem:s24], [sflag:$0x1] =	stream.indirect.gather [hbm4b:s3+s10], $0x20, s12, s10, $0xb8;
	[tilespmem:$0x13800] =	vst v63  }
0xb0: {  	s12 =	sadd.s32 $0x770, s1  }
0xb1: {  	[tilespmem:s0], [sflag:$0x1] =	stream.indirect.gather [hbm4b:s3+s10], $0x20, s12, s10, $0xb8;
	[tilespmem:$0x13800] =	vst v63  }
0xb2: {  	s24 =	simm.s32 $0x82C0;
	s12 =	sadd.s32 $0x7A8, s1  }
0xb3: {  	[tilespmem:s24], [sflag:$0x1] =	stream.indirect.gather [hbm4b:s3+s10], $0x20, s12, s10, $0xb8;
	[tilespmem:$0x13800] =	vst v63  }
0xb4: {  	s12 =	sadd.s32 $0x7E0, s1;
	s24 =	simm.s32 $0x8900  }
0xb5: {  	[tilespmem:s24], [sflag:$0x1] =	stream.indirect.gather [hbm4b:s3+s10], $0x20, s12, s10, $0xb8;
	[tilespmem:$0x13800] =	vst v63  }
0xb6: {  	s12 =	sadd.s32 $0x818, s1;
	s24 =	simm.s32 $0x8F40  }
0xb7: {  	[tilespmem:s24], [sflag:$0x1] =	stream.indirect.gather [hbm4b:s3+s10], $0x20, s12, s10, $0xb8;
	[tilespmem:$0x13800] =	vst v63  }
0xb8: {  	s12 =	sadd.s32 $0x850, s1;
	s24 =	simm.s32 $0x9580  }
0xb9: {  	[tilespmem:s24], [sflag:$0x1] =	stream.indirect.gather [hbm4b:s3+s10], $0x20, s12, s10, $0xb8;
	[tilespmem:$0x13800] =	vst v63  }
0xba: {  	s12 =	sadd.s32 $0x888, s1;
	s24 =	simm.s32 $0x9BC0  }
0xbb: {  	[tilespmem:s24], [sflag:$0x1] =	stream.indirect.gather [hbm4b:s3+s10], $0x20, s12, s10, $0xb8;
	[tilespmem:$0x13800] =	vst v63  }
0xbc: {  	s12 =	sadd.s32 $0x8C0, s1;
	s24 =	simm.s32 $0xA200  }
0xbd: {  	[tilespmem:s24], [sflag:$0x1] =	stream.indirect.gather [hbm4b:s3+s10], $0x20, s12, s10, $0xb8;
	[tilespmem:$0x13800] =	vst v63  }
0xbe: {  	s12 =	sadd.s32 $0x8F8, s1;
	s24 =	simm.s32 $0xA840  }
0xbf: {  	[tilespmem:s24], [sflag:$0x1] =	stream.indirect.gather [hbm4b:s3+s10], $0x20, s12, s10, $0xb8;
	[tilespmem:$0x13800] =	vst v63  }
0xc0: {  	s12 =	sadd.s32 $0x930, s1;
	s24 =	simm.s32 $0xAE80  }
0xc1: {  	[tilespmem:s24], [sflag:$0x1] =	stream.indirect.gather [hbm4b:s3+s10], $0x20, s12, s10, $0xb8;
	[tilespmem:$0x13800] =	vst v63  }
0xc2: {  	s12 =	sadd.s32 $0x968, s1;
	s24 =	simm.s32 $0xB4C0  }
0xc3: {  	[tilespmem:s24], [sflag:$0x1] =	stream.indirect.gather [hbm4b:s3+s10], $0x20, s12, s10, $0xb8;
	[tilespmem:$0x13800] =	vst v63  }
0xc4: {  	s12 =	sadd.s32 $0x9A0, s1;
	s24 =	simm.s32 $0xBB00  }
0xc5: {  	[tilespmem:s24], [sflag:$0x1] =	stream.indirect.gather [hbm4b:s3+s10], $0x20, s12, s10, $0xb8;
	[tilespmem:$0x13800] =	vst v63  }
0xc6: {  	s12 =	sadd.s32 $0x9D8, s1;
	s24 =	simm.s32 $0xC140  }
0xc7: {  	[tilespmem:s24], [sflag:$0x1] =	stream.indirect.gather [hbm4b:s3+s10], $0x20, s12, s10, $0xb8;
	[tilespmem:$0x13800] =	vst v63  }
0xc8: {  	s12 =	sadd.s32 $0xA10, s1;
	s24 =	simm.s32 $0xC780  }
0xc9: {  	[tilespmem:s24], [sflag:$0x1] =	stream.indirect.gather [hbm4b:s3+s10], $0x20, s12, s10, $0xb8;
	[tilespmem:$0x13800] =	vst v63  }
0xca: {  	s1 =	sadd.s32 $0xA48, s1;
	s12 =	simm.s32 $0xCDC0  }
0xcb: {  	[tilespmem:s12], [sflag:$0x1] =	stream.indirect.gather [hbm4b:s3+s10], $0x20, s1, s10, $0xb8;
	[tilespmem:$0x13800] =	vst v63  }
0xcc: {  	_ =	swait.ge [sflag:s25], $0x6400  }
.Ltmp0:
0xcd: {  	[sflag:s25] =	ssyncset.done $0x0;
	(pc) =	sbr.rel @p0 .LBB2_2-.Ltmp0, $4  }
0xce: {  	s1 =	sadd.s32 $0xC80, s30;
	[sflag:s25] =	ssyncadd.s32 $0xFFFF9C00  }
0xcf: {  	[hbm4b:s1+s2] =	stream.linear.scatter [tilespmem:s31], [sflag:$0x4], $0x6400, $0x38;
	[tilespmem:$0x13800] =	vst v63  }
0xd0: {  	s30 =	sadd.s32 $0x1900, s30;
	_ =	swait.ge [sflag:s28], $0x6400  }
0xd1: {  	s12 =	smov.u32 s20;
	s1 =	sshra.s32 s16, $0x2;
	[sflag:s28] =	ssyncset.done $0x0  }
0xd2: {  	s12 =	sadd.s32 $0x380, s1;
	[sflag:s28] =	ssyncadd.s32 $0xFFFF9C00  }
0xd3: {  	[tilespmem:s31], [sflag:$0x2] =	stream.indirect.gather [hbm4b:s3+s10], $0x20, s12, s10, $0xb8;
	[tilespmem:$0x13800] =	vst v63  }
0xd4: {  	s14 =	sadd.s32 $0x3B8, s1;
	s4 =	simm.s32 $0xDA40  }
0xd5: {  	[tilespmem:s4], [sflag:$0x2] =	stream.indirect.gather [hbm4b:s3+s10], $0x20, s14, s10, $0xb8;
	[tilespmem:$0x13800] =	vst v63  }
0xd6: {  	s15 =	sadd.s32 $0x3F0, s1;
	s5 =	simm.s32 $0xE080  }
0xd7: {  	[tilespmem:s5], [sflag:$0x2] =	stream.indirect.gather [hbm4b:s3+s10], $0x20, s15, s10, $0xb8;
	[tilespmem:$0x13800] =	vst v63  }
0xd8: {  	s16 =	sadd.s32 $0x428, s1;
	s6 =	simm.s32 $0xE6C0  }
0xd9: {  	[tilespmem:s6], [sflag:$0x2] =	stream.indirect.gather [hbm4b:s3+s10], $0x20, s16, s10, $0xb8;
	[tilespmem:$0x13800] =	vst v63  }
0xda: {  	s17 =	sadd.s32 $0x460, s1;
	s7 =	simm.s32 $0xED00  }
0xdb: {  	[tilespmem:s7], [sflag:$0x2] =	stream.indirect.gather [hbm4b:s3+s10], $0x20, s17, s10, $0xb8;
	[tilespmem:$0x13800] =	vst v63  }
0xdc: {  	s18 =	sadd.s32 $0x498, s1;
	s8 =	simm.s32 $0xF340  }
0xdd: {  	[tilespmem:s8], [sflag:$0x2] =	stream.indirect.gather [hbm4b:s3+s10], $0x20, s18, s10, $0xb8;
	[tilespmem:$0x13800] =	vst v63  }
0xde: {  	s19 =	sadd.s32 $0x4D0, s1;
	s9 =	simm.s32 $0xF980  }
0xdf: {  	[tilespmem:s9], [sflag:$0x2] =	stream.indirect.gather [hbm4b:s3+s10], $0x20, s19, s10, $0xb8;
	[tilespmem:$0x13800] =	vst v63  }
0xe0: {  	s20 =	sadd.s32 $0x508, s1;
	s13 =	simm.s32 $0xFFC0  }
0xe1: {  	[tilespmem:s13], [sflag:$0x2] =	stream.indirect.gather [hbm4b:s3+s10], $0x20, s20, s10, $0xb8;
	[tilespmem:$0x13800] =	vst v63  }
0xe2: {  	s22 =	sadd.s32 $0x540, s1;
	s14 =	simm.s32 $0x10600  }
0xe3: {  	[tilespmem:s14], [sflag:$0x2] =	stream.indirect.gather [hbm4b:s3+s10], $0x20, s22, s10, $0xb8;
	[tilespmem:$0x13800] =	vst v63  }
0xe4: {  	s24 =	sadd.s32 $0x578, s1;
	s15 =	simm.s32 $0x10C40  }
0xe5: {  	[tilespmem:s15], [sflag:$0x2] =	stream.indirect.gather [hbm4b:s3+s10], $0x20, s24, s10, $0xb8;
	[tilespmem:$0x13800] =	vst v63  }
0xe6: {  	s26 =	sadd.s32 $0x5B0, s1;
	s17 =	simm.s32 $0x11280  }
0xe7: {  	[tilespmem:s17], [sflag:$0x2] =	stream.indirect.gather [hbm4b:s3+s10], $0x20, s26, s10, $0xb8;
	[tilespmem:$0x13800] =	vst v63  }
0xe8: {  	s16 =	sadd.s32 $0x5E8, s1;
	s18 =	simm.s32 $0x118C0  }
0xe9: {  	[tilespmem:s18], [sflag:$0x2] =	stream.indirect.gather [hbm4b:s3+s10], $0x20, s16, s10, $0xb8;
	[tilespmem:$0x13800] =	vst v63  }
0xea: {  	s19 =	sadd.s32 $0x620, s1;
	s22 =	simm.s32 $0x11F00  }
0xeb: {  	[tilespmem:s22], [sflag:$0x2] =	stream.indirect.gather [hbm4b:s3+s10], $0x20, s19, s10, $0xb8;
	[tilespmem:$0x13800] =	vst v63  }
0xec: {  	s20 =	sadd.s32 $0x658, s1;
	s16 =	simm.s32 $0x12540  }
0xed: {  	[tilespmem:s16], [sflag:$0x2] =	stream.indirect.gather [hbm4b:s3+s10], $0x20, s20, s10, $0xb8;
	[tilespmem:$0x13800] =	vst v63  }
0xee: {  	s24 =	sadd.s32 $0x690, s1;
	s20 =	simm.s32 $0x12B80  }
0xef: {  	[tilespmem:s20], [sflag:$0x2] =	stream.indirect.gather [hbm4b:s3+s10], $0x20, s24, s10, $0xb8;
	[tilespmem:$0x13800] =	vst v63  }
0xf0: {  	s26 =	sadd.s32 $0x6C8, s1;
	s24 =	simm.s32 $0x131C0  }
0xf1: {  	[tilespmem:s24], [sflag:$0x2] =	stream.indirect.gather [hbm4b:s3+s10], $0x20, s26, s10, $0xb8;
	[tilespmem:$0x13800] =	vst v63  }
0xf2: {  	_ =	swait.ge [sflag:s21], $0x6400  }
0xf3: {  	[sflag:s21] =	ssyncset.done $0x0  }
0xf4: {  	[sflag:s21] =	ssyncadd.s32 $0xFFFF9C00  }
0xf5: {  	[hbm4b:s30+s2] =	stream.linear.scatter [tilespmem:s11], [sflag:$0x3], $0x6400, $0x38;
	[tilespmem:$0x13800] =	vst v63  }
0xf6: {  	_ =	swait.ge [sflag:s23], $0x6400  }
0xf7: {  	[sflag:s23] =	ssyncset.done $0x0  }
0xf8: {  	s19 =	sadd.s32 $0x700, s1;
	[sflag:s23] =	ssyncadd.s32 $0xFFFF9C00  }
0xf9: {  	[tilespmem:s11], [sflag:$0x1] =	stream.indirect.gather [hbm4b:s3+s10], $0x20, s19, s10, $0xb8;
	[tilespmem:$0x13800] =	vst v63  }
0xfa: {  	s26 =	sadd.s32 $0x738, s1;
	s19 =	simm.s32 $0x7640  }
0xfb: {  	[tilespmem:s19], [sflag:$0x1] =	stream.indirect.gather [hbm4b:s3+s10], $0x20, s26, s10, $0xb8;
	[tilespmem:$0x13800] =	vst v63  }
0xfc: {  	s26 =	sadd.s32 $0x770, s1  }
0xfd: {  	[tilespmem:s0], [sflag:$0x1] =	stream.indirect.gather [hbm4b:s3+s10], $0x20, s26, s10, $0xb8;
	[tilespmem:$0x13800] =	vst v63  }
0xfe: {  	s19 =	sadd.s32 $0x7A8, s1;
	s26 =	simm.s32 $0x82C0  }
0xff: {  	[tilespmem:s26], [sflag:$0x1] =	stream.indirect.gather [hbm4b:s3+s10], $0x20, s19, s10, $0xb8;
	[tilespmem:$0x13800] =	vst v63  }
0x100: {  	s19 =	sadd.s32 $0x7E0, s1;
	s26 =	simm.s32 $0x8900  }
0x101: {  	[tilespmem:s26], [sflag:$0x1] =	stream.indirect.gather [hbm4b:s3+s10], $0x20, s19, s10, $0xb8;
	[tilespmem:$0x13800] =	vst v63  }
0x102: {  	s19 =	sadd.s32 $0x818, s1;
	s26 =	simm.s32 $0x8F40  }
0x103: {  	[tilespmem:s26], [sflag:$0x1] =	stream.indirect.gather [hbm4b:s3+s10], $0x20, s19, s10, $0xb8;
	[tilespmem:$0x13800] =	vst v63  }
0x104: {  	s19 =	sadd.s32 $0x850, s1;
	s26 =	simm.s32 $0x9580  }
0x105: {  	[tilespmem:s26], [sflag:$0x1] =	stream.indirect.gather [hbm4b:s3+s10], $0x20, s19, s10, $0xb8;
	[tilespmem:$0x13800] =	vst v63  }
0x106: {  	s19 =	sadd.s32 $0x888, s1;
	s26 =	simm.s32 $0x9BC0  }
0x107: {  	[tilespmem:s26], [sflag:$0x1] =	stream.indirect.gather [hbm4b:s3+s10], $0x20, s19, s10, $0xb8;
	[tilespmem:$0x13800] =	vst v63  }
0x108: {  	s19 =	sadd.s32 $0x8C0, s1;
	s26 =	simm.s32 $0xA200  }
0x109: {  	[tilespmem:s26], [sflag:$0x1] =	stream.indirect.gather [hbm4b:s3+s10], $0x20, s19, s10, $0xb8;
	[tilespmem:$0x13800] =	vst v63  }
0x10a: {  	s19 =	sadd.s32 $0x8F8, s1;
	s26 =	simm.s32 $0xA840  }
0x10b: {  	[tilespmem:s26], [sflag:$0x1] =	stream.indirect.gather [hbm4b:s3+s10], $0x20, s19, s10, $0xb8;
	[tilespmem:$0x13800] =	vst v63  }
0x10c: {  	s19 =	sadd.s32 $0x930, s1;
	s26 =	simm.s32 $0xAE80  }
0x10d: {  	[tilespmem:s26], [sflag:$0x1] =	stream.indirect.gather [hbm4b:s3+s10], $0x20, s19, s10, $0xb8;
	[tilespmem:$0x13800] =	vst v63  }
0x10e: {  	s19 =	sadd.s32 $0x968, s1;
	s26 =	simm.s32 $0xB4C0  }
0x10f: {  	[tilespmem:s26], [sflag:$0x1] =	stream.indirect.gather [hbm4b:s3+s10], $0x20, s19, s10, $0xb8;
	[tilespmem:$0x13800] =	vst v63  }
0x110: {  	s19 =	sadd.s32 $0x9A0, s1;
	s26 =	simm.s32 $0xBB00  }
0x111: {  	[tilespmem:s26], [sflag:$0x1] =	stream.indirect.gather [hbm4b:s3+s10], $0x20, s19, s10, $0xb8;
	[tilespmem:$0x13800] =	vst v63  }
0x112: {  	s19 =	sadd.s32 $0x9D8, s1;
	s26 =	simm.s32 $0xC140  }
0x113: {  	[tilespmem:s26], [sflag:$0x1] =	stream.indirect.gather [hbm4b:s3+s10], $0x20, s19, s10, $0xb8;
	[tilespmem:$0x13800] =	vst v63  }
0x114: {  	s19 =	sadd.s32 $0xA10, s1;
	s26 =	simm.s32 $0xC780  }
0x115: {  	[tilespmem:s26], [sflag:$0x1] =	stream.indirect.gather [hbm4b:s3+s10], $0x20, s19, s10, $0xb8;
	[tilespmem:$0x13800] =	vst v63  }
0x116: {  	s12 =	simm.s32 $0xCDC0;
	s0 =	sadd.s32 $0xA48, s1  }
0x117: {  	[tilespmem:s12], [sflag:$0x1] =	stream.indirect.gather [hbm4b:s3+s10], $0x20, s0, s10, $0xb8;
	[tilespmem:$0x13800] =	vst v63  }
0x118: {  	_ =	swait.ge [sflag:s25], $0x6400  }
0x119: {  	[sflag:s25] =	ssyncset.done $0x0  }
0x11a: {  	s19 =	sadd.s32 $0xC80, s30;
	[sflag:s25] =	ssyncadd.s32 $0xFFFF9C00  }
0x11b: {  	[hbm4b:s19+s2] =	stream.linear.scatter [tilespmem:s31], [sflag:$0x4], $0x6400, $0x38;
	[tilespmem:$0x13800] =	vst v63  }
0x11c: {  	_ =	swait.ge [sflag:s28], $0x6400  }
0x11d: {  	[sflag:s28] =	ssyncset.done $0x0  }
0x11e: {  	s26 =	simm.s32 $0x6C80;
	[sflag:s28] =	ssyncadd.s32 $0xFFFF9C00  }
0x11f: {  	[tilespmem:s31], [sflag:$0x2] =	stream.indirect.gather [hbm4b:s3+s10], $0x20, s26, s10, $0xb8;
	[tilespmem:$0x13800] =	vst v63  }
0x120: {  	s30 =	simm.s32 $0x6CB8  }
0x121: {  	[tilespmem:s4], [sflag:$0x2] =	stream.indirect.gather [hbm4b:s3+s10], $0x20, s30, s10, $0xb8;
	[tilespmem:$0x13800] =	vst v63  }
0x122: {  	s1 =	simm.s32 $0x6CF0  }
0x123: {  	[tilespmem:s5], [sflag:$0x2] =	stream.indirect.gather [hbm4b:s3+s10], $0x20, s1, s10, $0xb8;
	[tilespmem:$0x13800] =	vst v63  }
0x124: {  	s12 =	simm.s32 $0x6D28  }
0x125: {  	[tilespmem:s6], [sflag:$0x2] =	stream.indirect.gather [hbm4b:s3+s10], $0x20, s12, s10, $0xb8;
	[tilespmem:$0x13800] =	vst v63  }
0x126: {  	s26 =	simm.s32 $0x6D60  }
0x127: {  	[tilespmem:s7], [sflag:$0x2] =	stream.indirect.gather [hbm4b:s3+s10], $0x20, s26, s10, $0xb8;
	[tilespmem:$0x13800] =	vst v63  }
0x128: {  	s30 =	simm.s32 $0x6D98  }
0x129: {  	[tilespmem:s8], [sflag:$0x2] =	stream.indirect.gather [hbm4b:s3+s10], $0x20, s30, s10, $0xb8;
	[tilespmem:$0x13800] =	vst v63  }
0x12a: {  	s1 =	simm.s32 $0x6DD0  }
0x12b: {  	[tilespmem:s9], [sflag:$0x2] =	stream.indirect.gather [hbm4b:s3+s10], $0x20, s1, s10, $0xb8;
	[tilespmem:$0x13800] =	vst v63  }
0x12c: {  	s12 =	simm.s32 $0x6E08  }
0x12d: {  	[tilespmem:s13], [sflag:$0x2] =	stream.indirect.gather [hbm4b:s3+s10], $0x20, s12, s10, $0xb8;
	[tilespmem:$0x13800] =	vst v63  }
0x12e: {  	s26 =	simm.s32 $0x6E40  }
0x12f: {  	[tilespmem:s14], [sflag:$0x2] =	stream.indirect.gather [hbm4b:s3+s10], $0x20, s26, s10, $0xb8;
	[tilespmem:$0x13800] =	vst v63  }
0x130: {  	s30 =	simm.s32 $0x6E78  }
0x131: {  	[tilespmem:s15], [sflag:$0x2] =	stream.indirect.gather [hbm4b:s3+s10], $0x20, s30, s10, $0xb8;
	[tilespmem:$0x13800] =	vst v63  }
0x132: {  	s1 =	simm.s32 $0x6EB0  }
0x133: {  	[tilespmem:s17], [sflag:$0x2] =	stream.indirect.gather [hbm4b:s3+s10], $0x20, s1, s10, $0xb8;
	[tilespmem:$0x13800] =	vst v63  }
0x134: {  	s12 =	simm.s32 $0x6EE8  }
0x135: {  	[tilespmem:s18], [sflag:$0x2] =	stream.indirect.gather [hbm4b:s3+s10], $0x20, s12, s10, $0xb8;
	[tilespmem:$0x13800] =	vst v63  }
0x136: {  	s26 =	simm.s32 $0x6F20  }
0x137: {  	[tilespmem:s22], [sflag:$0x2] =	stream.indirect.gather [hbm4b:s3+s10], $0x20, s26, s10, $0xb8;
	[tilespmem:$0x13800] =	vst v63  }
0x138: {  	s30 =	simm.s32 $0x6F58  }
0x139: {  	[tilespmem:s16], [sflag:$0x2] =	stream.indirect.gather [hbm4b:s3+s10], $0x20, s30, s10, $0xb8;
	[tilespmem:$0x13800] =	vst v63  }
0x13a: {  	s1 =	simm.s32 $0x6F90  }
0x13b: {  	[tilespmem:s20], [sflag:$0x2] =	stream.indirect.gather [hbm4b:s3+s10], $0x20, s1, s10, $0xb8;
	[tilespmem:$0x13800] =	vst v63  }
0x13c: {  	s12 =	simm.s32 $0x6FC8  }
0x13d: {  	[tilespmem:s24], [sflag:$0x2] =	stream.indirect.gather [hbm4b:s3+s10], $0x20, s12, s10, $0xb8;
	[tilespmem:$0x13800] =	vst v63  }
0x13e: {  	_ =	swait.ge [sflag:s21], $0x6400  }
0x13f: {  	[sflag:s21] =	ssyncset.done $0x0  }
0x140: {  	s16 =	rddreg [dreg:$0x5];
	[sflag:s21] =	ssyncadd.s32 $0xFFFF9C00  }
0x141: {  	[hbm4b:s16+s2] =	stream.linear.scatter [tilespmem:s11], [sflag:$0x3], $0x6400, $0x38;
	[tilespmem:$0x13800] =	vst v63  }
0x142: {  	_ =	swait.ge [sflag:s23], $0x6400  }
0x143: {  	[sflag:s23] =	ssyncset.done $0x0  }
0x144: {  	[sflag:s23] =	ssyncadd.s32 $0xFFFF9C00  }
0x145: {  	_ =	swait.ge [sflag:s25], $0x6400  }
0x146: {  	[sflag:s25] =	ssyncset.done $0x0  }
0x147: {  	s20 =	rddreg [dreg:$0x6];
	[sflag:s25] =	ssyncadd.s32 $0xFFFF9C00  }
0x148: {  	[hbm4b:s20+s2] =	stream.linear.scatter [tilespmem:s31], [sflag:$0x4], $0x6400, $0x38;
	[tilespmem:$0x13800] =	vst v63  }
0x149: {  	_ =	swait.ge [sflag:s28], $0x6400  }
0x14a: {  	s24 =	rddreg [dreg:$0x8]  }
0x14b: {  	s29 =	simm.s32 $0x131C0;
	s30 =	rddreg [dreg:$0x4];
	s0 =	sadd.s32 $0x1, s24  }
0x14c: {  	s19 =	simm.s32 $0xDA40;
	s4 =	simm.s32 $0xE080;
	p0 =	sne.s32 s0, s30  }
.Ltmp1:
0x14d: {  	s5 =	simm.s32 $0xE6C0;
	s6 =	simm.s32 $0xED00;
	(pc) =	sbr.rel @p0 .LBB2_1-.Ltmp1, $4  }
0x14e: {  	s7 =	simm.s32 $0xF340;
	s8 =	simm.s32 $0xF980;
	s9 =	simm.s32 $0xFFC0  }
0x14f: {  	s13 =	simm.s32 $0x10600;
	s14 =	simm.s32 $0x10C40;
	s15 =	simm.s32 $0x11280  }
0x150: {  	s17 =	simm.s32 $0x118C0;
	s18 =	simm.s32 $0x11F00;
	[sflag:s28] =	ssyncset.done $0x0  }
0x151: {  	s22 =	simm.s32 $0x12540;
	s26 =	simm.s32 $0x12B80;
	[sflag:s28] =	ssyncadd.s32 $0xFFFF9C00  }
0x152: {  	_ =	sfence.sel $0x180000  }
0x153: {  	[bflag:$0x0] =	sbarrier.arrive $0xFFFF  }
0x154: {  	_ =	strace $0x90000047  }
0x155: {  	s0 =	stileid.u32;
	[bflag:$0x2] =	sbarrier.arrive $0xFFFF  }
0x156: {  	p0 =	sne.s32 s0, $0x0;
	s0 =	rddreg [dreg:$0x2]  }
0x157: {  	s0 =	sadd.s32 @!p0 $0x100000, s0  }
0x158: {  	[sflag:s0] =	ssyncadd.tile.s32 @!p0 $0x1;
	_ =	shalt  }
.Lfunc_end2:
_tile_overlayer_lowered:
.L_overlay_start_2:
0x159: {  	(tag) =	ssettag $0x2  }
0x15a: {  	s0 =	rddreg [dreg:$0x0];
	s2 =	stileid.u32  }
0x15b: {  	s1 =	rddreg [dreg:$0x1];
	p0 =	sne.s32 s2, $0x0  }
0x15c: {  	s3 =	rddreg [dreg:$0x2];
	[bflag:$0x3] =	sbarrier.arrive $0xFFFF;
	s2 =	simm.s32 @!p0 $0x1C05  }
0x15d: {  	[timem:s3], [sflag:s2] =	dma.local @!p0 [hbm:s0], s1  }
0x15e: {  	s0 =	simm.s32 @!p0 $0x5  }
0x15f: {  	_ =	swait.ge @!p0 [sflag:s0], s1  }
0x160: {  	s1 =	ssub.s32 @!p0 $0x0, s1;
	[sflag:s0] =	ssyncset.done @!p0 $0x0  }
0x161: {  	[sflag:s0] =	ssyncadd.s32 @!p0 s1  }
0x162: {  	[bflag:$0x3] =	sbarrier.arrive $0xFFFF  }
0x163: {  	_ =	shalt  }

// kernel: sparse-core-data-format-call.cloned.1.call-start
scs
called_computation_lowered:
.L_overlay_start_0:
0x0: {  	s2 =	sld [smem:$0x3FD9]  }
0x1: {  	s3 =	sld [smem:$0x3FFE];
	_ =	sdelay $0x1  }
0x2: {  	s1 =	srdreg.scid  }
0x3: {  	s0 =	sand.u32 $0x1, s1  }
0x4: {  	s18 =	sshll.u32 s0, $0xA;
	s2 =	sadd.s32 s3, s2  }
0x5: {  	s2 =	sadd.s32 s2, s18  }
0x6: {  	[smem:$0x3FC6] =	sst s2  }
0x7: {  	_ = 	snop  }
0x8: {  	s2 =	sld [smem:$0x3FD0];
	(tm) =	ssettm $0x1  }
0x9: {  	s19 =	sld [smem:$0x3FFB];
	_ =	sdelay $0x3  }
0xa: {  	_ =	strace s19  }
0xb: {  	s3 =	sld [smem:$0x3FFC];
	_ =	sdelay $0x3  }
0xc: {  	_ =	strace s3  }
0xd: {  	s3 =	sld [smem:$0x3FFD];
	_ =	sdelay $0x3  }
0xe: {  	_ =	strace s3  }
0xf: {  	_ =	strace $0x8FFFFFFF  }
0x10: {  	s20 =	sld [smem:$0x3FDB];
	_ =	sdelay $0x1  }
0x11: {  	s4 =	simm.s32 $_scs_section_size  }
0x12: {  	s5 =	simm.s32 $_size__tile_overlayer_lowered;
	s6 =	simm.s32 $_tile_overlayer_lowered  }
0x13: {  	s23 =	simm.s32 $0x1BFF;
	s22 =	sshll.u32 s6, $0x1;
	s3 =	sadd.s32 s4, s20  }
0x14: {  	s7 =	simm.s32 $0x0;
	s21 =	sshll.u32 s5, $0x1;
	s5 =	sadd.s32 s22, s3  }
0x15: {  	[timem:s7], [sflag:s23] =	dma.local [hbm:s5], s21  }
0x16: {  	_ =	swait.ge [sflag:s23], s21  }
0x17: {  	s4 =	ssub.s32 $0x0, s21;
	[sflag:s23] =	ssyncset.done $0x0  }
0x18: {  	[sflag:s23] =	ssyncadd.s32 s4;
	_ =	sdelay $0x1  }
0x19: {  	s24 =	simm.s32 $0x1B8B  }
0x1a: {  	_ =	swait.ge [sflag:s24], $0x1  }
0x1b: {  	[sflag:s24] =	ssyncset.done $0x0  }
0x1c: {  	s26 =	simm.s32 $0x1B8E;
	s25 =	sld [smem:$0x3FFE];
	[sflag:s24] =	ssyncadd.s32 $0xFFFFFFFF  }
0x1d: {  	s27 =	simm.s32 $execute0_lowered;
	[smem:$0x3FD2] =	sst s26  }
0x1e: {  	s5 =	sshll.u32 s27, $0x1;
	_ =	strace $0x80000049;
	[dreg:$0x1] =	wrdreg $0xFFFFFFFF  }
0x1f: {  	s28 =	simm.s32 $_size_execute0_lowered;
	s3 =	sadd.s32 s3, s5;
	[dreg:$0x0] =	wrdreg $0x0  }
0x20: {  	s5 =	sshll.u32 s28, $0x1;
	[dreg:$0x2] =	wrdreg s3  }
0x21: {  	[dreg:$0x3] =	wrdreg s5  }
0x22: {  	[dreg:$0x4] =	wrdreg $0xC0  }
0x23: {  	_ =	task [dreg:s7], $0x5FFFF  }
0x24: {  	[dreg:$0x1] =	wrdreg $0xFFFFFFFF  }
0x25: {  	[dreg:$0x0] =	wrdreg $0x60  }
0x26: {  	[dreg:$0x2] =	wrdreg s25  }
0x27: {  	[dreg:$0x3] =	wrdreg s2  }
0x28: {  	[dreg:$0x4] =	wrdreg $0x9  }
0x29: {  	_ =	task.clear_ibuf [dreg:s7], $0x5FFFF;
	_ =	strace $0x90000049  }
0x2a: {  	s29 =	simm.s32 $0x9;
	_ =	strace $0x8000004B  }
0x2b: {  	_ =	swait.ge [sflag:s29], $0x1  }
0x2c: {  	[sflag:s29] =	ssyncadd.s32 $0xFFFFFFFF  }
0x2d: {  	_ =	strace $0x9000004B  }
0x2e: {  	_ =	sfence  }
0x2f: {  	s30 =	sld [smem:$0x0];
	_ =	sdelay $0x2  }
0x30: {  	s31 =	sshll.u32 s1, $0xD;
	s1 =	sshrl.u32 s1, $0x2  }
0x31: {  	s3 =	sand.u32 $0x4000, s31;
	s1 =	sadd.s32 s1, s30  }
0x32: {  	s0 =	sor.u32 s3, s0;
	s1 =	sshll.u32 s1, $0x11  }
0x33: {  	s0 =	sor.u32 s1, s0  }
0x34: {  	s0 =	sadd.s32 $0x8F2B, s0  }
0x35: {  	[sflag:s0] =	ssyncadd.remote.s32 $0x1  }
0x36: {  	_ =	sfence.sel $0xFFFF  }
0x37: {  	[dreg:$0x0] =	wrdreg $0xFFFFFFFF;
	(pc) =	sbr.abs _section_cstart, $3  }
0x38: {  	[dreg:$0x1] =	wrdreg $0xFFFFFFFF  }
0x39: {  	_ =	task.clear_ibuf [dreg:s7], $0x2FFFF;
	_ =	strace $0x9FFFFFFF  }
0x3a: {  	(tm) =	ssettm $0x7FFFFFFF  }
0x3b: {  	_ =	shalt  }
tec
execute0_lowered:
.L_overlay_start_1:
0x0: {  	(tag) =	ssettag $0x1  }
0x1: {  	s0 =	srdreg.scid  }
0x2: {  	s1 =	sshll.u32 s0, $0x4  }
0x3: {  	s0 =	stileid.u32;
	s1 =	sand.u32 $0x10, s1  }
0x4: {  	s1 =	sor.u32 s0, s1  }
0x5: {  	s6 =	rddreg [dreg:$0x0];
	s4 =	simm.s32 $0x1;
	s2 =	sshll.u32 s1, $0x7  }
0x6: {  	s7 =	simm.s32 $0x2;
	s12 =	simm.s32 $0x0;
	s1 =	ssub.s32 $0x4000, s2  }
0x7: {  	s8 =	simm.s32 $0x20000;
	s13 =	simm.s32 $0x0;
	s3 =	sand.u32 $0xF80, s1  }
0x8: {  	s9 =	simm.s32 $0x0;
	s5 =	sshrl.u32 s1, $0xC;
	p0 =	sne.s32 s3, $0x0  }
.Ltmp0:
0x9: {  	s1 =	rddreg [dreg:$0x2];
	s4 =	simm.s32 @!p0 $0x0;
	(pc) =	sbr.rel .LBB1_1-.Ltmp0, $4  }
0xa: {  	s11 =	simm.s32 $0x0;
	s3 =	rddreg [dreg:$0x1];
	s5 =	sadd.s32 s4, s5  }
0xb: {  	_ =	strace $0x8000004A;
	s4 =	simm.s32 $0x1;
	s5 =	smul.u32 $0x32, s5  }
0xc: {  	s6 =	sadd.s32 $0xA00, s6;
	s10 =	smov.u32 s2;
	[sflag:s4] =	ssyncpa.u1 $0x0  }
0xd: {  	p0 =	por $0x0, $0x0;
	[sflag:s7] =	ssyncpa.u1 $0x0;
	s7 =	sor.u32 $0x1, s5  }
.LBB1_4:
0xe: {  	s16 =	sshll.u32 s13, $0x3;
	s17 =	sand.u32 $0x78, s13  }
0xf: {  	s30 =	sand.u32 $0xF800, s13;
	s12 =	sshll.u32 s12, $0x10;
	s16 =	sand.u32 $0x3C00, s16  }
0x10: {  	s31 =	sand.u32 $0x7, s13;
	s16 =	sor.u32 s17, s16;
	s17 =	sadd.s32 s3, s30  }
0x11: {  	s13 =	sshll.u32 s31, $0x12;
	s16 =	sshrl.u32 s16, $0x3;
	s12 =	sadd.s32 s12, s17  }
0x12: {  	[tilespmem:s15+$0x0 ss:$0x81] =	vst.msk $0xffff, v0;
	s13 =	sor.u32 $0x400, s13;
	s12 =	sadd.s32 s16, s12  }
0x13: {  	[hbm4b:s12+s13] =	stream.strided.scatter [tilespmem:s14], [sflag:$0x2], $0x1000, s8, s13, $0x20;
	[tilespmem:$0x4040] =	vst v63  }
.LBB1_5:
0x14: {  	s14 =	sadd.s32 $0x1, s9  }
0x15: {  	s12 =	sadd.s32 $0x1000, s10;
	s16 =	smov.u32 s10;
	p2 =	sgt.s32 s14, $0x31  }
0x16: {  	s16 =	smov.u32 @p2 s12  }
0x17: {  	s14 =	simm.s32 @p2 $0x0;
	p2 =	sgt.s32 s16, $0x3FFF  }
0x18: {  	s16 =	smov.u32 @p2 s2;
	p2 =	sne.s32 s11, s7  }
.Ltmp1:
0x19: {  	p1 =	slt.u32 s11, $0x2;
	(pc) =	sbr.rel @!p2 .LBB1_6-.Ltmp1, $4  }
0x1a: {  	s15 =	simm.s32 @!p1 $0x2  }
0x1b: {  	s13 =	smov.u32 s10;
	p0 =	por !p0, !p0;
	_ =	swait.ge @!p1 [sflag:s15], $0x1000  }
0x1c: {  	s12 =	smov.u32 s9;
	[sflag:s15] =	ssyncset.done @!p1 $0x0;
	s9 =	smov.u32 s14  }
0x1d: {  	s11 =	sadd.s32 $0x1, s11;
	[sflag:s15] =	ssyncadd.s32 @!p1 $0xFFFFF000;
	s10 =	smov.u32 s16  }
.LBB1_1:
0x1e: {  	p1 =	sge.u32 s11, s5  }
0x1f: {  	s14 =	sand.u32 @!p1 $0x1FFFFFF, s9  }
0x20: {  	s15 =	smulhi.u32 @!p1 $0x4924925, s14;
	_ =	sdelay $0x1  }
0x21: {  	s15 =	smul.u32 @!p1 $0x38, s15  }
0x22: {  	s16 =	sxor.u32 @!p1 $0xFFFFFFFF, s11;
	s17 =	smul.u32 @!p1 $0x380, s10  }
0x23: {  	s31 =	sadd.s32 $0xFFFFFFFF, s11;
	s16 =	sshll.u32 @!p1 s16, $0xC;
	s14 =	ssub.s32 @!p1 s14, s15  }
0x24: {  	s15 =	sand.u32 @!p1 $0x1000, s16;
	s16 =	sadd.s32 @!p1 s6, s17;
	s14 =	sshll.u32 @!p1 s14, $0x4  }
0x25: {  	s17 =	simm.s32 @!p1 $0x1C00;
	s14 =	sadd.s32 @!p1 s14, s16;
	s16 =	simm.s32 @!p1 $0x20  }
0x26: {  	[tilespmem:s15], [sflag:$0x1] =	stream.strided.gather @!p1 [hbm4b:s14+s16], $0x1000, s17, s16, $0x38;
	[tilespmem:$0x4040] =	vst v63  }
0x27: {  	p1 =	sge.u32 s31, s5  }
.Ltmp2:
0x28: {  	_ = 	snop;
	(pc) =	sbr.rel @p1 .LBB1_5-.Ltmp2, $1  }
0x29: {  	_ =	sdelay $0x3  }
0x2a: {  	s14 =	simm.s32 $0x1  }
0x2b: {  	_ =	swait.ge [sflag:s4], $0x1000;
	s14 =	simm.s32 @!p0 $0x0  }
0x2c: {  	[sflag:s4] =	ssyncset.done $0x0;
	s15 =	sshll.u32 s14, $0xC  }
0x2d: {  	[sflag:s4] =	ssyncadd.s32 $0xFFFFF000;
	s18 =	sor.u32 $0x10, s15  }
0x2e: {  	s14 =	smul.u32 $0x4080, s14;
	v1 =	vld [tilespmem:s18+$0x0]  }
0x2f: {  	s30 =	sand.u32 $0x1, s11;
	v0 =	vld [tilespmem:s18+$0xFFFFFFF0]  }
0x30: {  	s15 =	smul.u32 $0x4080, s30;
	s14 =	sshrl.u32 s14, $0x2  }
0x31: {  	s16 =	sor.u32 $0x2000, s14  }
0x32: {  	s31 =	sshrl.u32 s15, $0x2;
	s15 =	sadd.s32 $0x0, s16  }
0x33: {  	s17 =	simm.s32 $0x4;
	s18 =	sadd.s32 $0x20, s18;
	s14 =	sor.u32 $0x2000, s31;
	[tilespmem:s15+$0x810 ss:$0x81] =	vst.msk $0xffff, v1  }
.LBB1_3:
0x34: {  	v1 =	vld [tilespmem:s18+$0x0];
	p1 =	sne.s32 s17, $0x1FC;
	[tilespmem:s15+$0x0 ss:$0x81] =	vst.msk $0xffff, v0;
	s15 =	smov.u32 s17;
	s17 =	sadd.s32 $0x4, s17  }
.Ltmp3:
0x35: {  	v0 =	vld [tilespmem:s18+$0xFFFFFFF0];
	(pc) =	sbr.rel @p1 .LBB1_3-.Ltmp3, $4  }
0x36: {  	_ = 	snop  }
0x37: {  	s15 =	sshra.s32 s15, $0x2  }
0x38: {  	s15 =	sadd.s32 s15, s16  }
0x39: {  	s18 =	sadd.s32 $0x20, s18;
	[tilespmem:s15+$0x810 ss:$0x81] =	vst.msk $0xffff, v1  }
.Ltmp4:
0x3a: {  	_ = 	snop;
	(pc) =	sbr.rel .LBB1_4-.Ltmp4, $1  }
0x3b: {  	_ =	sdelay $0x3  }
.LBB1_6:
0x3c: {  	_ =	sfence.sel $0x180000  }
0x3d: {  	s2 =	simm.s32 $0x1;
	[bflag:$0x0] =	sbarrier.arrive $0xFFFF  }
0x3e: {  	s31 =	simm.s32 $0x2;
	[sflag:s2] =	ssyncpa.u1 $0x1  }
0x3f: {  	[sflag:s31] =	ssyncpa.u1 $0x1  }
0x40: {  	p0 =	sne.s32 s0, $0x0;
	_ =	strace $0x9000004A  }
0x41: {  	s0 =	sadd.s32 @!p0 $0x100000, s1;
	[bflag:$0x2] =	sbarrier.arrive $0xFFFF  }
0x42: {  	[sflag:s0] =	ssyncadd.tile.s32 @!p0 $0x1;
	_ =	shalt  }
.Lfunc_end1:
_tile_overlayer_lowered:
.L_overlay_start_2:
0x43: {  	(tag) =	ssettag $0x2  }
0x44: {  	s0 =	rddreg [dreg:$0x0];
	s2 =	stileid.u32  }
0x45: {  	s1 =	rddreg [dreg:$0x1];
	p0 =	sne.s32 s2, $0x0  }
0x46: {  	s3 =	rddreg [dreg:$0x2];
	[bflag:$0x3] =	sbarrier.arrive $0xFFFF;
	s2 =	simm.s32 @!p0 $0x1C01  }
0x47: {  	[timem:s3], [sflag:s2] =	dma.local @!p0 [hbm:s0], s1  }
0x48: {  	s0 =	simm.s32 @!p0 $0x1  }
0x49: {  	_ =	swait.ge @!p0 [sflag:s0], s1  }
0x4a: {  	s1 =	ssub.s32 @!p0 $0x0, s1;
	[sflag:s0] =	ssyncset.done @!p0 $0x0  }
0x4b: {  	[sflag:s0] =	ssyncadd.s32 @!p0 s1  }
0x4c: {  	[bflag:$0x3] =	sbarrier.arrive $0xFFFF  }
0x4d: {  	_ =	shalt  }

</sc_bundles>
